<compile_context>
chip_gen: v7x
topology: tpu7x:2x2x1
jax: 0.10.2.dev20260603
libtpu: 0.0.44.dev20260713+nightly
codegen_flags: <defaults>
</compile_context>

<pallas_src>
import functools

import jax
import jax.numpy as jnp
from jax import lax
from jax.experimental import pallas as pl
from jax.experimental.pallas import tpu as pltpu
from jax.experimental.pallas import tpu_sc as plsc

E = 8
K = 2
D = 1024
INTER = 512
T = 2048

BLK = 512
NBLK = (K * T + E * (BLK - 1)) // BLK + 1
NPAD = NBLK * BLK

NW = 32
TPW = T // NW

CUMBLK = 1024


def _pack_bf16(v):
    lo = lax.bitcast_convert_type(v[:, :D // 2].astype(jnp.bfloat16),
                                  jnp.int16).astype(jnp.int32)
    hi = lax.bitcast_convert_type(v[:, D // 2:].astype(jnp.bfloat16),
                                  jnp.int16).astype(jnp.int32)
    return lax.shift_left(hi, 16) | (lo & 0xFFFF)


def _unpack_bf16(w):
    lo = lax.bitcast_convert_type((w & 0xFFFF).astype(jnp.int16),
                                  jnp.bfloat16).astype(jnp.float32)
    hi = lax.bitcast_convert_type(
        lax.shift_right_logical(w, 16).astype(jnp.int16),
        jnp.bfloat16).astype(jnp.float32)
    return jnp.concatenate([lo, hi], axis=1)


def _gate_body(x_ref, gw_ref, w1_ref, w2_ref, p1_ref, p2_ref, be_ref, l_ref,
               xb_ref, rank_ref, oh_ref):
    x = x_ref[...]
    xb_ref[...] = _pack_bf16(x)
    gw = gw_ref[...]
    s = lax.dot_general(x, gw, (((1,), (1,)), ((), ())),
                        preferred_element_type=jnp.float32)
    sig = 1.0 / (1.0 + jnp.exp(-s))
    iota = lax.broadcasted_iota(jnp.int32, (T, E), 1)
    m1 = jnp.max(sig, axis=1, keepdims=True)
    e1 = jnp.min(jnp.where(sig == m1, iota, E), axis=1, keepdims=True)
    sig_m = jnp.where(iota == e1, -1.0, sig)
    m2 = jnp.max(sig_m, axis=1, keepdims=True)
    e2 = jnp.min(jnp.where(sig_m == m2, iota, E), axis=1, keepdims=True)
    den = m1 + m2
    w1_ref[...] = m1 / den
    w2_ref[...] = m2 / den
    oh1 = (iota == e1).astype(jnp.float32)
    oh2 = (iota == e2).astype(jnp.float32)
    cnt1 = jnp.sum(oh1, axis=0, keepdims=True)
    counts = cnt1 + jnp.sum(oh2, axis=0, keepdims=True)
    probs = jnp.sum((m1 / den) * oh1 + (m2 / den) * oh2, axis=0, keepdims=True)
    l_ref[...] = jnp.sum(E * counts / (K * T) * probs / T,
                         axis=1, keepdims=True)

    oh = jnp.concatenate([oh1, oh2], axis=0)
    oh_ref[...] = oh
    ltri = (lax.broadcasted_iota(jnp.int32, (CUMBLK, CUMBLK), 0) >
            lax.broadcasted_iota(jnp.int32, (CUMBLK, CUMBLK), 1)
            ).astype(jnp.float32)

    def step(j, carry):
        blk = oh_ref[pl.ds(j * CUMBLK, CUMBLK), :]
        c = lax.dot_general(ltri, blk, (((1,), (0,)), ((), ())),
                            preferred_element_type=jnp.float32) + carry
        rank_ref[pl.ds(j * CUMBLK, CUMBLK), :] = c
        return carry + jnp.sum(blk, axis=0, keepdims=True)

    lax.fori_loop(0, (K * T) // CUMBLK, step, jnp.zeros((1, E), jnp.float32))
    rank = rank_ref[...]

    cnt_pad = jnp.ceil(counts / BLK) * BLK
    upper = (lax.broadcasted_iota(jnp.int32, (E, E), 0) <
             lax.broadcasted_iota(jnp.int32, (E, E), 1)).astype(jnp.float32)
    off = lax.dot_general(cnt_pad, upper, (((1,), (0,)), ((), ())),
                          preferred_element_type=jnp.float32)
    pos = jnp.sum((off + rank) * oh, axis=1, keepdims=True)
    pos = pos.astype(jnp.int32)
    p1_ref[...] = pos[:T, :]
    p2_ref[...] = pos[T:, :]

    ends = off + cnt_pad
    bstart = (lax.broadcasted_iota(jnp.int32, (NBLK + 1, E), 0) * BLK
              ).astype(jnp.float32)
    be = jnp.sum((bstart >= ends).astype(jnp.int32), axis=1, keepdims=True)
    nblk_used = jnp.sum(cnt_pad, axis=1, keepdims=True) / BLK
    be_ref[...] = jnp.where(
        lax.broadcasted_iota(jnp.int32, (NBLK + 1, 1), 0) < NBLK,
        jnp.clip(be, 0, E - 1), nblk_used.astype(jnp.int32))


def _gate_call(x, gate_w):
    out_shape = (
        jax.ShapeDtypeStruct((T, 1), jnp.float32),
        jax.ShapeDtypeStruct((T, 1), jnp.float32),
        jax.ShapeDtypeStruct((T, 1), jnp.int32),
        jax.ShapeDtypeStruct((T, 1), jnp.int32),
        jax.ShapeDtypeStruct((NBLK + 1, 1), jnp.int32),
        jax.ShapeDtypeStruct((1, 1), jnp.float32),
        jax.ShapeDtypeStruct((T, D // 2), jnp.int32),
    )
    return pl.pallas_call(
        _gate_body,
        out_shape=out_shape,
        scratch_shapes=[pltpu.VMEM((K * T, E), jnp.float32),
                        pltpu.VMEM((K * T, E), jnp.float32)],
    )(x, gate_w)


def _mlp_body(be_ref, xs_ref, w1_ref, w3_ref, w2_ref, out_ref):
    @pl.when(pl.program_id(0) < be_ref[NBLK])
    def _():
        xb = _unpack_bf16(xs_ref[...])
        a = lax.dot_general(xb, w1_ref[0], (((1,), (1,)), ((), ())),
                            preferred_element_type=jnp.float32)
        c = lax.dot_general(xb, w3_ref[0], (((1,), (1,)), ((), ())),
                            preferred_element_type=jnp.float32)
        h = a * (1.0 / (1.0 + jnp.exp(-a))) * c
        y = lax.dot_general(h, w2_ref[0], (((1,), (1,)), ((), ())),
                            preferred_element_type=jnp.float32)
        out_ref[...] = _pack_bf16(y)


def _mlp_call(be, xs, W1, W3, W2):
    grid_spec = pltpu.PrefetchScalarGridSpec(
        num_scalar_prefetch=1,
        grid=(NBLK,),
        in_specs=[
            pl.BlockSpec((BLK, D // 2), lambda i, be: (i, 0)),
            pl.BlockSpec((1, INTER, D), lambda i, be: (be[i], 0, 0)),
            pl.BlockSpec((1, INTER, D), lambda i, be: (be[i], 0, 0)),
            pl.BlockSpec((1, D, INTER), lambda i, be: (be[i], 0, 0)),
        ],
        out_specs=pl.BlockSpec((BLK, D // 2), lambda i, be: (i, 0)),
    )
    return pl.pallas_call(
        _mlp_body,
        grid_spec=grid_spec,
        out_shape=jax.ShapeDtypeStruct((NPAD, D // 2), jnp.int32),
    )(be, xs, W1, W3, W2)


def _shared_z_body(x_ref, sw1_ref, sb1_ref, sw3_ref, sb3_ref, sw2_ref,
                   sb2_ref, out_ref):
    xb = x_ref[...]
    a = lax.dot_general(xb, sw1_ref[...], (((1,), (1,)), ((), ())),
                        preferred_element_type=jnp.float32) + sb1_ref[...]
    c = lax.dot_general(xb, sw3_ref[...], (((1,), (1,)), ((), ())),
                        preferred_element_type=jnp.float32) + sb3_ref[...]
    h = a * (1.0 / (1.0 + jnp.exp(-a))) * c
    out_ref[...] = lax.dot_general(h, sw2_ref[...], (((1,), (1,)), ((), ())),
                                   preferred_element_type=jnp.float32
                                   ) + sb2_ref[...]


def _shared_z_call(x, sw1, sb1, sw3, sb3, sw2, sb2):
    tb = 512
    row = lambda i: (i, 0)
    full = lambda i: (0, 0)
    return pl.pallas_call(
        _shared_z_body,
        grid=(T // tb,),
        in_specs=[
            pl.BlockSpec((tb, D), row),
            pl.BlockSpec((INTER, D), full),
            pl.BlockSpec((1, INTER), full),
            pl.BlockSpec((INTER, D), full),
            pl.BlockSpec((1, INTER), full),
            pl.BlockSpec((D, INTER), full),
            pl.BlockSpec((1, D), full),
        ],
        out_specs=pl.BlockSpec((tb, D), row),
        out_shape=jax.ShapeDtypeStruct((T, D), jnp.float32),
    )(x, sw1, sb1, sw3, sb3, sw2, sb2)


def _combine_body(z_ref, g0_ref, g1_ref, w1_ref, w2_ref, out_ref):
    out_ref[...] = (z_ref[...] + w1_ref[...] * _unpack_bf16(g0_ref[...])
                    + w2_ref[...] * _unpack_bf16(g1_ref[...]))


def _combine_call(z, g0, g1, w1, w2):
    tb = 1024
    row = lambda i: (i, 0)
    return pl.pallas_call(
        _combine_body,
        grid=(T // tb,),
        in_specs=[
            pl.BlockSpec((tb, D), row),
            pl.BlockSpec((tb, D // 2), row),
            pl.BlockSpec((tb, D // 2), row),
            pl.BlockSpec((tb, 1), row),
            pl.BlockSpec((tb, 1), row),
        ],
        out_specs=pl.BlockSpec((tb, D), row),
        out_shape=jax.ShapeDtypeStruct((T, D), jnp.float32),
    )(z, g0, g1, w1, w2)


@functools.cache
def _sc_scatter_kernel():
    mesh = plsc.VectorSubcoreMesh(core_axis_name="c", subcore_axis_name="s")

    @functools.partial(
        pl.kernel,
        out_type=jax.ShapeDtypeStruct((NPAD, D // 2), jnp.int32),
        mesh=mesh,
        scratch_types=[
            pltpu.VMEM((TPW,), jnp.int32),
            pltpu.VMEM((TPW,), jnp.int32),
            pltpu.VMEM((TPW, D // 2), jnp.int32),
            pltpu.SemaphoreType.DMA,
            pltpu.SemaphoreType.DMA,
        ],
    )
    def _sc_scatter(x_hbm, p1_hbm, p2_hbm, xs_hbm, idx1_v, idx2_v, rows_v,
                    sem1, sem2):
        wid = lax.axis_index("s") * 2 + lax.axis_index("c")
        base = wid * TPW
        pltpu.sync_copy(p1_hbm.at[pl.ds(base, TPW)], idx1_v)
        pltpu.sync_copy(p2_hbm.at[pl.ds(base, TPW)], idx2_v)
        pltpu.sync_copy(x_hbm.at[pl.ds(base, TPW)], rows_v)
        cp1 = pltpu.async_copy(rows_v, xs_hbm.at[idx1_v], sem1)
        cp2 = pltpu.async_copy(rows_v, xs_hbm.at[idx2_v], sem2)
        cp1.wait()
        cp2.wait()

    return _sc_scatter


@functools.cache
def _sc_gather_kernel():
    mesh = plsc.VectorSubcoreMesh(core_axis_name="c", subcore_axis_name="s")

    @functools.partial(
        pl.kernel,
        out_type=(jax.ShapeDtypeStruct((T, D // 2), jnp.int32),
                  jax.ShapeDtypeStruct((T, D // 2), jnp.int32)),
        mesh=mesh,
        scratch_types=[
            pltpu.VMEM((TPW,), jnp.int32),
            pltpu.VMEM((TPW,), jnp.int32),
            pltpu.VMEM((TPW, D // 2), jnp.int32),
            pltpu.VMEM((TPW, D // 2), jnp.int32),
            pltpu.SemaphoreType.DMA,
            pltpu.SemaphoreType.DMA,
        ],
    )
    def _sc_gather(ys_hbm, p1_hbm, p2_hbm, g0_hbm, g1_hbm, idx1_v, idx2_v,
                   rows1_v, rows2_v, sem1, sem2):
        wid = lax.axis_index("s") * 2 + lax.axis_index("c")
        base = wid * TPW
        pltpu.sync_copy(p1_hbm.at[pl.ds(base, TPW)], idx1_v)
        pltpu.sync_copy(p2_hbm.at[pl.ds(base, TPW)], idx2_v)
        cp1 = pltpu.async_copy(ys_hbm.at[idx1_v], rows1_v, sem1)
        cp2 = pltpu.async_copy(ys_hbm.at[idx2_v], rows2_v, sem2)
        cp1.wait()
        pltpu.sync_copy(rows1_v, g0_hbm.at[pl.ds(base, TPW)])
        cp2.wait()
        pltpu.sync_copy(rows2_v, g1_hbm.at[pl.ds(base, TPW)])

    return _sc_gather


def kernel(x, gate_w, W1, W2, W3, sw1, sb1, sw2, sb2, sw3, sb3):
    w1, w2, pos1, pos2, be, aux, xb = _gate_call(x, gate_w)
    p1 = pos1.reshape(T)
    p2 = pos2.reshape(T)
    z = _shared_z_call(x, sw1, sb1.reshape(1, INTER), sw3,
                       sb3.reshape(1, INTER), sw2, sb2.reshape(1, D))
    xs = _sc_scatter_kernel()(xb, p1, p2)
    ys = _mlp_call(be.reshape(NBLK + 1), xs, W1, W3, W2)
    g0, g1 = _sc_gather_kernel()(ys, p1, p2)
    y = _combine_call(z, g0, g1, w1, w2)
    return (y, aux.reshape(()))

# --- scband reference (transcript-rebuilt; emitter-appended) ---
"""Pipeline reference for scband-baseline-model-29334626632569 (READ-ONLY COPY).

The authoritative reference and input builder live on the scoring server;
editing this copy changes nothing except your own understanding.
"""

import jax, jax.numpy as jnp
import numpy as np

E = 8
K = 2
D = 1024
INTER = 512
NSHARED = 1
ROUTE_SCALE = 1.0
T = 2048


def setup_inputs(seed: int = 0) -> dict:
    key = jax.random.key(seed)
    ks = jax.random.split(key, 12)
    x = jax.random.normal(ks[0], (T, D), dtype=jnp.float32)
    gate_w = jax.random.normal(ks[1], (E, D), dtype=jnp.float32) * 0.02
    W1 = jax.random.normal(ks[2], (E, INTER, D), dtype=jnp.float32) * (1.0 / np.sqrt(D))
    W2 = jax.random.normal(ks[3], (E, D, INTER), dtype=jnp.float32) * (1.0 / np.sqrt(INTER))
    W3 = jax.random.normal(ks[4], (E, INTER, D), dtype=jnp.float32) * (1.0 / np.sqrt(D))
    sw1 = jax.random.normal(ks[5], (NSHARED * INTER, D), dtype=jnp.float32) * (1.0 / np.sqrt(D))
    sb1 = jnp.zeros((NSHARED * INTER,), dtype=jnp.float32)
    sw2 = jax.random.normal(ks[6], (D, NSHARED * INTER), dtype=jnp.float32) * (1.0 / np.sqrt(NSHARED * INTER))
    sb2 = jnp.zeros((D,), dtype=jnp.float32)
    sw3 = jax.random.normal(ks[7], (NSHARED * INTER, D), dtype=jnp.float32) * (1.0 / np.sqrt(D))
    sb3 = jnp.zeros((NSHARED * INTER,), dtype=jnp.float32)
    return {"x": x, "gate_w": gate_w, "W1": W1, "W2": W2, "W3": W3,
            "sw1": sw1, "sb1": sb1, "sw2": sw2, "sb2": sb2, "sw3": sw3, "sb3": sb3}


def reference(x, gate_w, W1, W2, W3, sw1, sb1, sw2, sb2, sw3, sb3):
    Ttok = x.shape[0]
    # Gate: sigmoid scores -> top-k -> normalized weights
    scores = x @ gate_w.T
    original_scores = jax.nn.sigmoid(scores)
    topk_scores, indices = jax.lax.top_k(original_scores, K)
    weights = topk_scores / jnp.sum(topk_scores, axis=-1, keepdims=True)
    weights = weights * ROUTE_SCALE
    # Scatter top-k weights into a dense [T, E] routing matrix (zeros elsewhere)
    fw = jnp.zeros((Ttok, E), dtype=x.dtype).at[jnp.arange(Ttok)[:, None], indices].set(weights)
    # Routed experts: y += w_e * Expert_e(x) (zero weight -> zero contribution, same math as torch loop)
    y = jnp.zeros_like(x)
    for e in range(E):
        h = jax.nn.silu(x @ W1[e].T) * (x @ W3[e].T)
        y = y + fw[:, e:e + 1] * (h @ W2[e].T)
    # Load-balance auxiliary loss L_ExpBal
    counts = jnp.sum(jax.nn.one_hot(indices, E, dtype=x.dtype), axis=(0, 1))
    expert_probs = jnp.sum(fw, axis=0)
    f_i = E * counts / (K * Ttok)
    P_i = expert_probs / Ttok
    L_ExpBal = jnp.sum(f_i * P_i)
    # Shared expert MLP (with bias)
    hs = jax.nn.silu(x @ sw1.T + sb1) * (x @ sw3.T + sb3)
    z = hs @ sw2.T + sb2
    return (y + z, L_ExpBal)

if __name__ == "__main__":
    import jax
    _d = setup_inputs()
    print(jax.jit(kernel)(*tuple(_d.values())))

</pallas_src>

<mosaic_0001>
#map = affine_map<(d0, d1) -> (0, 0)>
#map1 = affine_map<(d0, d1) -> (0)>
module attributes {stable_mosaic.version = 14 : i64} {
  func.func @_sc_gather(%arg0: i32, %arg1: i32, %arg2: memref<8192x512xi32, #tpu.memory_space<hbm>>, %arg3: memref<2048xi32, #tpu.memory_space<hbm>>, %arg4: memref<2048xi32, #tpu.memory_space<hbm>>, %arg5: memref<2048x512xi32, #tpu.memory_space<hbm>>, %arg6: memref<2048x512xi32, #tpu.memory_space<hbm>>, %arg7: memref<64xi32, #tpu.memory_space<vmem>>, %arg8: memref<64xi32, #tpu.memory_space<vmem>>, %arg9: memref<64x512xi32, #tpu.memory_space<vmem>>, %arg10: memref<64x512xi32, #tpu.memory_space<vmem>>, %arg11: memref<!tpu.dma_semaphore, #tpu.memory_space<semaphore_mem>>, %arg12: memref<!tpu.dma_semaphore, #tpu.memory_space<semaphore_mem>>) attributes {dimension_semantics = [#tpu.dimension_semantics<core_parallel>, #tpu.dimension_semantics<subcore_parallel>], iteration_bounds = array<i64: 2, 16>, scalar_prefetch = 0 : i64, scratch_operands = 6 : i64, tpu.core_type = #tpu.core_type<sc_vector_subcore>, window_params = [{transform_indices = #map}, {transform_indices = #map1}, {transform_indices = #map1}, {transform_indices = #map}, {transform_indices = #map}]} {
    %mul3A = arith.constant 2 : i32
    %mul3A_0 = arith.muli %arg1, %mul3A : i32
    %add3A = arith.addi %mul3A_0, %arg0 : i32
    %mul3A_1 = arith.constant 64 : i32
    %mul3A_2 = arith.muli %add3A, %mul3A_1 : i32
    "tpu.region"() ({
      %run_scoped3A = tpu.sem_alloc : memref<!tpu.dma_semaphore, #tpu.memory_space<semaphore_mem>>
      %dma_start3A_13 = tpu.memref_slice %arg3[%mul3A_2] : memref<2048xi32, #tpu.memory_space<hbm>> -> memref<64xi32, #tpu.memory_space<hbm>>
      %dma_start3A_14 = tpu.memref_slice %arg3[%mul3A_2] : memref<2048xi32, #tpu.memory_space<hbm>> -> memref<64xi32, #tpu.memory_space<hbm>>
      tpu.enqueue_dma source(%dma_start3A_14 : memref<64xi32, #tpu.memory_space<hbm>>) target(%arg7 : memref<64xi32, #tpu.memory_space<vmem>>) target_semaphore(%run_scoped3A : memref<!tpu.dma_semaphore, #tpu.memory_space<semaphore_mem>>)
      %dma_wait3A_15 = tpu.memref_slice %arg3[%mul3A_2] : memref<2048xi32, #tpu.memory_space<hbm>> -> memref<64xi32, #tpu.memory_space<hbm>>
      %dma_wait3A_16 = tpu.memref_slice %arg3[%mul3A_2] : memref<2048xi32, #tpu.memory_space<hbm>> -> memref<64xi32, #tpu.memory_space<hbm>>
      tpu.wait_dma2 semaphore(%run_scoped3A : memref<!tpu.dma_semaphore, #tpu.memory_space<semaphore_mem>>) src(%dma_wait3A_16 : memref<64xi32, #tpu.memory_space<hbm>>) dst(%arg7 : memref<64xi32, #tpu.memory_space<vmem>>)
      tpu.yield
    }) : () -> ()
    "tpu.region"() ({
      %run_scoped3A = tpu.sem_alloc : memref<!tpu.dma_semaphore, #tpu.memory_space<semaphore_mem>>
      %dma_start3A_13 = tpu.memref_slice %arg4[%mul3A_2] : memref<2048xi32, #tpu.memory_space<hbm>> -> memref<64xi32, #tpu.memory_space<hbm>>
      %dma_start3A_14 = tpu.memref_slice %arg4[%mul3A_2] : memref<2048xi32, #tpu.memory_space<hbm>> -> memref<64xi32, #tpu.memory_space<hbm>>
      tpu.enqueue_dma source(%dma_start3A_14 : memref<64xi32, #tpu.memory_space<hbm>>) target(%arg8 : memref<64xi32, #tpu.memory_space<vmem>>) target_semaphore(%run_scoped3A : memref<!tpu.dma_semaphore, #tpu.memory_space<semaphore_mem>>)
      %dma_wait3A_15 = tpu.memref_slice %arg4[%mul3A_2] : memref<2048xi32, #tpu.memory_space<hbm>> -> memref<64xi32, #tpu.memory_space<hbm>>
      %dma_wait3A_16 = tpu.memref_slice %arg4[%mul3A_2] : memref<2048xi32, #tpu.memory_space<hbm>> -> memref<64xi32, #tpu.memory_space<hbm>>
      tpu.wait_dma2 semaphore(%run_scoped3A : memref<!tpu.dma_semaphore, #tpu.memory_space<semaphore_mem>>) src(%dma_wait3A_16 : memref<64xi32, #tpu.memory_space<hbm>>) dst(%arg8 : memref<64xi32, #tpu.memory_space<vmem>>)
      tpu.yield
    }) : () -> ()
    %dma_start3A = arith.constant 0 : i32
    %dma_start3A_3 = arith.constant 0 : i32
    %dma_start3A_4 = tpu.memref_slice %arg2[%dma_start3A, %dma_start3A_3] : memref<8192x512xi32, #tpu.memory_space<hbm>> -> memref<8192x512xi32, #tpu.memory_space<hbm>>
    tpu.enqueue_indirect_dma source(%dma_start3A_4 : memref<8192x512xi32, #tpu.memory_space<hbm>>) target(%arg9 : memref<64x512xi32, #tpu.memory_space<vmem>>) offsets(%arg7 : memref<64xi32, #tpu.memory_space<vmem>>) semaphore(%arg11 : memref<!tpu.dma_semaphore, #tpu.memory_space<semaphore_mem>>)
    %dma_start3A_5 = arith.constant 0 : i32
    %dma_start3A_6 = arith.constant 0 : i32
    %dma_start3A_7 = tpu.memref_slice %arg2[%dma_start3A_5, %dma_start3A_6] : memref<8192x512xi32, #tpu.memory_space<hbm>> -> memref<8192x512xi32, #tpu.memory_space<hbm>>
    tpu.enqueue_indirect_dma source(%dma_start3A_7 : memref<8192x512xi32, #tpu.memory_space<hbm>>) target(%arg10 : memref<64x512xi32, #tpu.memory_space<vmem>>) offsets(%arg8 : memref<64xi32, #tpu.memory_space<vmem>>) semaphore(%arg12 : memref<!tpu.dma_semaphore, #tpu.memory_space<semaphore_mem>>)
    %dma_wait3A = arith.constant 0 : i32
    %dma_wait3A_8 = arith.constant 0 : i32
    %dma_wait3A_9 = tpu.memref_slice %arg2[%dma_wait3A, %dma_wait3A_8] : memref<8192x512xi32, #tpu.memory_space<hbm>> -> memref<8192x512xi32, #tpu.memory_space<hbm>>
    tpu.wait_indirect_dma semaphore(%arg11 : memref<!tpu.dma_semaphore, #tpu.memory_space<semaphore_mem>>) src(%dma_wait3A_9 : memref<8192x512xi32, #tpu.memory_space<hbm>>) dst(%arg9 : memref<64x512xi32, #tpu.memory_space<vmem>>)
    "tpu.region"() ({
      %run_scoped3A = tpu.sem_alloc : memref<!tpu.dma_semaphore, #tpu.memory_space<semaphore_mem>>
      %dma_start3A_13 = arith.constant 0 : i32
      %dma_start3A_14 = tpu.memref_slice %arg5[%mul3A_2, %dma_start3A_13] : memref<2048x512xi32, #tpu.memory_space<hbm>> -> memref<64x512xi32, #tpu.memory_space<hbm>>
      %dma_start3A_15 = arith.constant 0 : i32
      %dma_start3A_16 = tpu.memref_slice %arg5[%mul3A_2, %dma_start3A_15] : memref<2048x512xi32, #tpu.memory_space<hbm>> -> memref<64x512xi32, #tpu.memory_space<hbm>>
      tpu.enqueue_dma source(%arg9 : memref<64x512xi32, #tpu.memory_space<vmem>>) target(%dma_start3A_16 : memref<64x512xi32, #tpu.memory_space<hbm>>) target_semaphore(%run_scoped3A : memref<!tpu.dma_semaphore, #tpu.memory_space<semaphore_mem>>)
      %dma_wait3A_17 = arith.constant 0 : i32
      %dma_wait3A_18 = tpu.memref_slice %arg5[%mul3A_2, %dma_wait3A_17] : memref<2048x512xi32, #tpu.memory_space<hbm>> -> memref<64x512xi32, #tpu.memory_space<hbm>>
      %dma_wait3A_19 = arith.constant 0 : i32
      %dma_wait3A_20 = tpu.memref_slice %arg5[%mul3A_2, %dma_wait3A_19] : memref<2048x512xi32, #tpu.memory_space<hbm>> -> memref<64x512xi32, #tpu.memory_space<hbm>>
      tpu.wait_dma2 semaphore(%run_scoped3A : memref<!tpu.dma_semaphore, #tpu.memory_space<semaphore_mem>>) src(%arg9 : memref<64x512xi32, #tpu.memory_space<vmem>>) dst(%dma_wait3A_20 : memref<64x512xi32, #tpu.memory_space<hbm>>)
      tpu.yield
    }) : () -> ()
    %dma_wait3A_10 = arith.constant 0 : i32
    %dma_wait3A_11 = arith.constant 0 : i32
    %dma_wait3A_12 = tpu.memref_slice %arg2[%dma_wait3A_10, %dma_wait3A_11] : memref<8192x512xi32, #tpu.memory_space<hbm>> -> memref<8192x512xi32, #tpu.memory_space<hbm>>
    tpu.wait_indirect_dma semaphore(%arg12 : memref<!tpu.dma_semaphore, #tpu.memory_space<semaphore_mem>>) src(%dma_wait3A_12 : memref<8192x512xi32, #tpu.memory_space<hbm>>) dst(%arg10 : memref<64x512xi32, #tpu.memory_space<vmem>>)
    "tpu.region"() ({
      %run_scoped3A = tpu.sem_alloc : memref<!tpu.dma_semaphore, #tpu.memory_space<semaphore_mem>>
      %dma_start3A_13 = arith.constant 0 : i32
      %dma_start3A_14 = tpu.memref_slice %arg6[%mul3A_2, %dma_start3A_13] : memref<2048x512xi32, #tpu.memory_space<hbm>> -> memref<64x512xi32, #tpu.memory_space<hbm>>
      %dma_start3A_15 = arith.constant 0 : i32
      %dma_start3A_16 = tpu.memref_slice %arg6[%mul3A_2, %dma_start3A_15] : memref<2048x512xi32, #tpu.memory_space<hbm>> -> memref<64x512xi32, #tpu.memory_space<hbm>>
      tpu.enqueue_dma source(%arg10 : memref<64x512xi32, #tpu.memory_space<vmem>>) target(%dma_start3A_16 : memref<64x512xi32, #tpu.memory_space<hbm>>) target_semaphore(%run_scoped3A : memref<!tpu.dma_semaphore, #tpu.memory_space<semaphore_mem>>)
      %dma_wait3A_17 = arith.constant 0 : i32
      %dma_wait3A_18 = tpu.memref_slice %arg6[%mul3A_2, %dma_wait3A_17] : memref<2048x512xi32, #tpu.memory_space<hbm>> -> memref<64x512xi32, #tpu.memory_space<hbm>>
      %dma_wait3A_19 = arith.constant 0 : i32
      %dma_wait3A_20 = tpu.memref_slice %arg6[%mul3A_2, %dma_wait3A_19] : memref<2048x512xi32, #tpu.memory_space<hbm>> -> memref<64x512xi32, #tpu.memory_space<hbm>>
      tpu.wait_dma2 semaphore(%run_scoped3A : memref<!tpu.dma_semaphore, #tpu.memory_space<semaphore_mem>>) src(%arg10 : memref<64x512xi32, #tpu.memory_space<vmem>>) dst(%dma_wait3A_20 : memref<64x512xi32, #tpu.memory_space<hbm>>)
      tpu.yield
    }) : () -> ()
    return
  }
}

#map = affine_map<(d0, d1) -> (0, 0)>
#map1 = affine_map<(d0, d1) -> (0)>
module attributes {stable_mosaic.version = 14 : i64} {
  func.func @_sc_scatter(%arg0: i32, %arg1: i32, %arg2: memref<2048x512xi32, #tpu.memory_space<hbm>>, %arg3: memref<2048xi32, #tpu.memory_space<hbm>>, %arg4: memref<2048xi32, #tpu.memory_space<hbm>>, %arg5: memref<8192x512xi32, #tpu.memory_space<hbm>>, %arg6: memref<64xi32, #tpu.memory_space<vmem>>, %arg7: memref<64xi32, #tpu.memory_space<vmem>>, %arg8: memref<64x512xi32, #tpu.memory_space<vmem>>, %arg9: memref<!tpu.dma_semaphore, #tpu.memory_space<semaphore_mem>>, %arg10: memref<!tpu.dma_semaphore, #tpu.memory_space<semaphore_mem>>) attributes {dimension_semantics = [#tpu.dimension_semantics<core_parallel>, #tpu.dimension_semantics<subcore_parallel>], iteration_bounds = array<i64: 2, 16>, scalar_prefetch = 0 : i64, scratch_operands = 5 : i64, tpu.core_type = #tpu.core_type<sc_vector_subcore>, window_params = [{transform_indices = #map}, {transform_indices = #map1}, {transform_indices = #map1}, {transform_indices = #map}]} {
    %mul3A = arith.constant 2 : i32
    %mul3A_0 = arith.muli %arg1, %mul3A : i32
    %add3A = arith.addi %mul3A_0, %arg0 : i32
    %mul3A_1 = arith.constant 64 : i32
    %mul3A_2 = arith.muli %add3A, %mul3A_1 : i32
    "tpu.region"() ({
      %run_scoped3A = tpu.sem_alloc : memref<!tpu.dma_semaphore, #tpu.memory_space<semaphore_mem>>
      %dma_start3A_13 = tpu.memref_slice %arg3[%mul3A_2] : memref<2048xi32, #tpu.memory_space<hbm>> -> memref<64xi32, #tpu.memory_space<hbm>>
      %dma_start3A_14 = tpu.memref_slice %arg3[%mul3A_2] : memref<2048xi32, #tpu.memory_space<hbm>> -> memref<64xi32, #tpu.memory_space<hbm>>
      tpu.enqueue_dma source(%dma_start3A_14 : memref<64xi32, #tpu.memory_space<hbm>>) target(%arg6 : memref<64xi32, #tpu.memory_space<vmem>>) target_semaphore(%run_scoped3A : memref<!tpu.dma_semaphore, #tpu.memory_space<semaphore_mem>>)
      %dma_wait3A_15 = tpu.memref_slice %arg3[%mul3A_2] : memref<2048xi32, #tpu.memory_space<hbm>> -> memref<64xi32, #tpu.memory_space<hbm>>
      %dma_wait3A_16 = tpu.memref_slice %arg3[%mul3A_2] : memref<2048xi32, #tpu.memory_space<hbm>> -> memref<64xi32, #tpu.memory_space<hbm>>
      tpu.wait_dma2 semaphore(%run_scoped3A : memref<!tpu.dma_semaphore, #tpu.memory_space<semaphore_mem>>) src(%dma_wait3A_16 : memref<64xi32, #tpu.memory_space<hbm>>) dst(%arg6 : memref<64xi32, #tpu.memory_space<vmem>>)
      tpu.yield
    }) : () -> ()
    "tpu.region"() ({
      %run_scoped3A = tpu.sem_alloc : memref<!tpu.dma_semaphore, #tpu.memory_space<semaphore_mem>>
      %dma_start3A_13 = tpu.memref_slice %arg4[%mul3A_2] : memref<2048xi32, #tpu.memory_space<hbm>> -> memref<64xi32, #tpu.memory_space<hbm>>
      %dma_start3A_14 = tpu.memref_slice %arg4[%mul3A_2] : memref<2048xi32, #tpu.memory_space<hbm>> -> memref<64xi32, #tpu.memory_space<hbm>>
      tpu.enqueue_dma source(%dma_start3A_14 : memref<64xi32, #tpu.memory_space<hbm>>) target(%arg7 : memref<64xi32, #tpu.memory_space<vmem>>) target_semaphore(%run_scoped3A : memref<!tpu.dma_semaphore, #tpu.memory_space<semaphore_mem>>)
      %dma_wait3A_15 = tpu.memref_slice %arg4[%mul3A_2] : memref<2048xi32, #tpu.memory_space<hbm>> -> memref<64xi32, #tpu.memory_space<hbm>>
      %dma_wait3A_16 = tpu.memref_slice %arg4[%mul3A_2] : memref<2048xi32, #tpu.memory_space<hbm>> -> memref<64xi32, #tpu.memory_space<hbm>>
      tpu.wait_dma2 semaphore(%run_scoped3A : memref<!tpu.dma_semaphore, #tpu.memory_space<semaphore_mem>>) src(%dma_wait3A_16 : memref<64xi32, #tpu.memory_space<hbm>>) dst(%arg7 : memref<64xi32, #tpu.memory_space<vmem>>)
      tpu.yield
    }) : () -> ()
    "tpu.region"() ({
      %run_scoped3A = tpu.sem_alloc : memref<!tpu.dma_semaphore, #tpu.memory_space<semaphore_mem>>
      %dma_start3A_13 = arith.constant 0 : i32
      %dma_start3A_14 = tpu.memref_slice %arg2[%mul3A_2, %dma_start3A_13] : memref<2048x512xi32, #tpu.memory_space<hbm>> -> memref<64x512xi32, #tpu.memory_space<hbm>>
      %dma_start3A_15 = arith.constant 0 : i32
      %dma_start3A_16 = tpu.memref_slice %arg2[%mul3A_2, %dma_start3A_15] : memref<2048x512xi32, #tpu.memory_space<hbm>> -> memref<64x512xi32, #tpu.memory_space<hbm>>
      tpu.enqueue_dma source(%dma_start3A_16 : memref<64x512xi32, #tpu.memory_space<hbm>>) target(%arg8 : memref<64x512xi32, #tpu.memory_space<vmem>>) target_semaphore(%run_scoped3A : memref<!tpu.dma_semaphore, #tpu.memory_space<semaphore_mem>>)
      %dma_wait3A_17 = arith.constant 0 : i32
      %dma_wait3A_18 = tpu.memref_slice %arg2[%mul3A_2, %dma_wait3A_17] : memref<2048x512xi32, #tpu.memory_space<hbm>> -> memref<64x512xi32, #tpu.memory_space<hbm>>
      %dma_wait3A_19 = arith.constant 0 : i32
      %dma_wait3A_20 = tpu.memref_slice %arg2[%mul3A_2, %dma_wait3A_19] : memref<2048x512xi32, #tpu.memory_space<hbm>> -> memref<64x512xi32, #tpu.memory_space<hbm>>
      tpu.wait_dma2 semaphore(%run_scoped3A : memref<!tpu.dma_semaphore, #tpu.memory_space<semaphore_mem>>) src(%dma_wait3A_20 : memref<64x512xi32, #tpu.memory_space<hbm>>) dst(%arg8 : memref<64x512xi32, #tpu.memory_space<vmem>>)
      tpu.yield
    }) : () -> ()
    %dma_start3A = arith.constant 0 : i32
    %dma_start3A_3 = arith.constant 0 : i32
    %dma_start3A_4 = tpu.memref_slice %arg5[%dma_start3A, %dma_start3A_3] : memref<8192x512xi32, #tpu.memory_space<hbm>> -> memref<8192x512xi32, #tpu.memory_space<hbm>>
    tpu.enqueue_indirect_dma source(%arg8 : memref<64x512xi32, #tpu.memory_space<vmem>>) target(%dma_start3A_4 : memref<8192x512xi32, #tpu.memory_space<hbm>>) offsets(%arg6 : memref<64xi32, #tpu.memory_space<vmem>>) semaphore(%arg9 : memref<!tpu.dma_semaphore, #tpu.memory_space<semaphore_mem>>)
    %dma_start3A_5 = arith.constant 0 : i32
    %dma_start3A_6 = arith.constant 0 : i32
    %dma_start3A_7 = tpu.memref_slice %arg5[%dma_start3A_5, %dma_start3A_6] : memref<8192x512xi32, #tpu.memory_space<hbm>> -> memref<8192x512xi32, #tpu.memory_space<hbm>>
    tpu.enqueue_indirect_dma source(%arg8 : memref<64x512xi32, #tpu.memory_space<vmem>>) target(%dma_start3A_7 : memref<8192x512xi32, #tpu.memory_space<hbm>>) offsets(%arg7 : memref<64xi32, #tpu.memory_space<vmem>>) semaphore(%arg10 : memref<!tpu.dma_semaphore, #tpu.memory_space<semaphore_mem>>)
    %dma_wait3A = arith.constant 0 : i32
    %dma_wait3A_8 = arith.constant 0 : i32
    %dma_wait3A_9 = tpu.memref_slice %arg5[%dma_wait3A, %dma_wait3A_8] : memref<8192x512xi32, #tpu.memory_space<hbm>> -> memref<8192x512xi32, #tpu.memory_space<hbm>>
    tpu.wait_indirect_dma semaphore(%arg9 : memref<!tpu.dma_semaphore, #tpu.memory_space<semaphore_mem>>) src(%arg8 : memref<64x512xi32, #tpu.memory_space<vmem>>) dst(%dma_wait3A_9 : memref<8192x512xi32, #tpu.memory_space<hbm>>)
    %dma_wait3A_10 = arith.constant 0 : i32
    %dma_wait3A_11 = arith.constant 0 : i32
    %dma_wait3A_12 = tpu.memref_slice %arg5[%dma_wait3A_10, %dma_wait3A_11] : memref<8192x512xi32, #tpu.memory_space<hbm>> -> memref<8192x512xi32, #tpu.memory_space<hbm>>
    tpu.wait_indirect_dma semaphore(%arg10 : memref<!tpu.dma_semaphore, #tpu.memory_space<semaphore_mem>>) src(%arg8 : memref<64x512xi32, #tpu.memory_space<vmem>>) dst(%dma_wait3A_12 : memref<8192x512xi32, #tpu.memory_space<hbm>>)
    return
  }
}

module attributes {stable_mosaic.version = 14 : i64} {
  func.func @_mlp_body(%arg0: i32, %arg1: memref<17xi32, #tpu.memory_space<smem>>, %arg2: memref<512x512xi32, #tpu.memory_space<vmem>>, %arg3: memref<1x512x1024xf32, #tpu.memory_space<vmem>>, %arg4: memref<1x512x1024xf32, #tpu.memory_space<vmem>>, %arg5: memref<1x1024x512xf32, #tpu.memory_space<vmem>>, %arg6: memref<512x512xi32, #tpu.memory_space<vmem>>) attributes {dimension_semantics = [#tpu.dimension_semantics<arbitrary>], iteration_bounds = array<i64: 16>, scalar_prefetch = 1 : i64, scratch_operands = 0 : i64, tpu.core_type = #tpu.core_type<tc>, window_params = [{transform_indices = @transform_0, window_bounds = array<i64: 512, 512>}, {transform_indices = @transform_1, window_bounds = array<i64: 1, 512, 1024>}, {transform_indices = @transform_2, window_bounds = array<i64: 1, 512, 1024>}, {transform_indices = @transform_3, window_bounds = array<i64: 1, 1024, 512>}, {transform_indices = @transform_4, window_bounds = array<i64: 512, 512>}]} {
    %get3A = arith.constant 16 : index
    %get3A_0 = memref.load %arg1[%get3A] : memref<17xi32, #tpu.memory_space<smem>>
    %lt3A = arith.cmpi slt, %arg0, %get3A_0 : i32
    %convert_element_type3A = arith.extui %lt3A : i1 to i32
    %cond3A = arith.constant 0 : i32
    %cond3A_1 = arith.cmpi ne, %convert_element_type3A, %cond3A : i32
    scf.if %cond3A_1 {
      %get3A_2 = arith.constant 0 : index
      %get3A_3 = arith.constant 0 : index
      %get3A_4 = vector.load %arg2[%get3A_2, %get3A_3] : memref<512x512xi32, #tpu.memory_space<vmem>>, vector<512x512xi32>
      %and3A = arith.constant 65535 : i32
      %and3A_5 = vector.broadcast %and3A : i32 to vector<512x512xi32>
      %and3A_6 = arith.andi %get3A_4, %and3A_5 : vector<512x512xi32>
      %convert_element_type3A_7 = arith.trunci %and3A_6 : vector<512x512xi32> to vector<512x512xi16>
      %bitcast_convert_type3A = tpu.bitcast %convert_element_type3A_7 : vector<512x512xi16> -> vector<512x512xbf16>
      %convert_element_type3A_8 = arith.extf %bitcast_convert_type3A : vector<512x512xbf16> to vector<512x512xf32>
      %shift_right_logical3A = arith.constant 16 : i32
      %shift_right_logical3A_9 = vector.broadcast %shift_right_logical3A : i32 to vector<512x512xi32>
      %shift_right_logical3A_10 = arith.shrui %get3A_4, %shift_right_logical3A_9 : vector<512x512xi32>
      %convert_element_type3A_11 = arith.trunci %shift_right_logical3A_10 : vector<512x512xi32> to vector<512x512xi16>
      %bitcast_convert_type3A_12 = tpu.bitcast %convert_element_type3A_11 : vector<512x512xi16> -> vector<512x512xbf16>
      %convert_element_type3A_13 = arith.extf %bitcast_convert_type3A_12 : vector<512x512xbf16> to vector<512x512xf32>
      %concatenate3A = tpu.concatenate %convert_element_type3A_8, %convert_element_type3A_13 in 1 : vector<512x512xf32>, vector<512x512xf32> -> vector<512x1024xf32>
      %get3A_14 = arith.constant 0 : index
      %get3A_15 = arith.constant 0 : index
      %get3A_16 = arith.constant 0 : index
      %get3A_17 = vector.load %arg3[%get3A_14, %get3A_15, %get3A_16] : memref<1x512x1024xf32, #tpu.memory_space<vmem>>, vector<1x512x1024xf32>
      %get3A_18 = vector.shape_cast %get3A_17 : vector<1x512x1024xf32> to vector<512x1024xf32>
      %dot_general3A = arith.constant dense<0.000000e+00> : vector<512x512xf32>
      %dot_general3A_19 = tpu.matmul %concatenate3A, %get3A_18, %dot_general3A {dimension_numbers = #tpu.dot_dimension_numbers<[1], [1], [0], [0], [0, 0, 1, 0], [], []>, transpose_lhs_hint = false} : vector<512x1024xf32>, vector<512x1024xf32>, vector<512x512xf32> -> vector<512x512xf32>
      %get3A_20 = arith.constant 0 : index
      %get3A_21 = arith.constant 0 : index
      %get3A_22 = arith.constant 0 : index
      %get3A_23 = vector.load %arg4[%get3A_20, %get3A_21, %get3A_22] : memref<1x512x1024xf32, #tpu.memory_space<vmem>>, vector<1x512x1024xf32>
      %get3A_24 = vector.shape_cast %get3A_23 : vector<1x512x1024xf32> to vector<512x1024xf32>
      %dot_general3A_25 = arith.constant dense<0.000000e+00> : vector<512x512xf32>
      %dot_general3A_26 = tpu.matmul %concatenate3A, %get3A_24, %dot_general3A_25 {dimension_numbers = #tpu.dot_dimension_numbers<[1], [1], [0], [0], [0, 0, 1, 0], [], []>, transpose_lhs_hint = false} : vector<512x1024xf32>, vector<512x1024xf32>, vector<512x512xf32> -> vector<512x512xf32>
      %neg3A = arith.constant 0.000000e+00 : f32
      %neg3A_27 = vector.broadcast %neg3A : f32 to vector<512x512xf32>
      %neg3A_28 = arith.subf %neg3A_27, %dot_general3A_19 : vector<512x512xf32>
      %exp3A = math.exp %neg3A_28 : vector<512x512xf32>
      %add3A = arith.constant 1.000000e+00 : f32
      %add3A_29 = vector.broadcast %add3A : f32 to vector<512x512xf32>
      %add3A_30 = arith.addf %add3A_29, %exp3A : vector<512x512xf32>
      %div3A = arith.constant 1.000000e+00 : f32
      %div3A_31 = vector.broadcast %div3A : f32 to vector<512x512xf32>
      %div3A_32 = arith.divf %div3A_31, %add3A_30 : vector<512x512xf32>
      %mul3A = arith.mulf %dot_general3A_19, %div3A_32 : vector<512x512xf32>
      %mul3A_33 = arith.mulf %mul3A, %dot_general3A_26 : vector<512x512xf32>
      %get3A_34 = arith.constant 0 : index
      %get3A_35 = arith.constant 0 : index
      %get3A_36 = arith.constant 0 : index
      %get3A_37 = vector.load %arg5[%get3A_34, %get3A_35, %get3A_36] : memref<1x1024x512xf32, #tpu.memory_space<vmem>>, vector<1x1024x512xf32>
      %get3A_38 = vector.shape_cast %get3A_37 : vector<1x1024x512xf32> to vector<1024x512xf32>
      %dot_general3A_39 = arith.constant dense<0.000000e+00> : vector<512x1024xf32>
      %dot_general3A_40 = tpu.matmul %mul3A_33, %get3A_38, %dot_general3A_39 {dimension_numbers = #tpu.dot_dimension_numbers<[1], [1], [0], [0], [0, 0, 1, 0], [], []>, transpose_lhs_hint = false} : vector<512x512xf32>, vector<1024x512xf32>, vector<512x1024xf32> -> vector<512x1024xf32>
      %slice3A = vector.extract_strided_slice %dot_general3A_40 {offsets = [0, 0], sizes = [512, 512], strides = [1, 1]} : vector<512x1024xf32> to vector<512x512xf32>
      %convert_element_type3A_41 = arith.truncf %slice3A : vector<512x512xf32> to vector<512x512xbf16>
      %bitcast_convert_type3A_42 = tpu.bitcast %convert_element_type3A_41 : vector<512x512xbf16> -> vector<512x512xi16>
      %convert_element_type3A_43 = arith.extsi %bitcast_convert_type3A_42 : vector<512x512xi16> to vector<512x512xi32>
      %slice3A_44 = vector.extract_strided_slice %dot_general3A_40 {offsets = [0, 512], sizes = [512, 512], strides = [1, 1]} : vector<512x1024xf32> to vector<512x512xf32>
      %convert_element_type3A_45 = arith.truncf %slice3A_44 : vector<512x512xf32> to vector<512x512xbf16>
      %bitcast_convert_type3A_46 = tpu.bitcast %convert_element_type3A_45 : vector<512x512xbf16> -> vector<512x512xi16>
      %convert_element_type3A_47 = arith.extsi %bitcast_convert_type3A_46 : vector<512x512xi16> to vector<512x512xi32>
      %shift_left3A = arith.constant 16 : i32
      %shift_left3A_48 = vector.broadcast %shift_left3A : i32 to vector<512x512xi32>
      %shift_left3A_49 = arith.shli %convert_element_type3A_47, %shift_left3A_48 : vector<512x512xi32>
      %and3A_50 = arith.constant 65535 : i32
      %and3A_51 = vector.broadcast %and3A_50 : i32 to vector<512x512xi32>
      %and3A_52 = arith.andi %convert_element_type3A_43, %and3A_51 : vector<512x512xi32>
      %or3A = arith.ori %shift_left3A_49, %and3A_52 : vector<512x512xi32>
      %swap3A = arith.constant 0 : index
      %swap3A_53 = arith.constant 0 : index
      %swap3A_54 = vector.load %arg6[%swap3A, %swap3A_53] : memref<512x512xi32, #tpu.memory_space<vmem>>, vector<512x512xi32>
      tpu.vector_store %arg6[%swap3A, %swap3A_53], %or3A {strides = array<i32>} : memref<512x512xi32, #tpu.memory_space<vmem>>, vector<512x512xi32>,
    } else {
    }
    return
  }
  func.func @transform_0(%arg0: i32, %arg1: memref<17xi32, #tpu.memory_space<smem>>) -> (i32, i32) {
    %c0_i32 = arith.constant 0 : i32
    %c0_i32_0 = arith.constant 0 : i32
    return %arg0, %c0_i32 : i32, i32
  }
  func.func @transform_1(%arg0: i32, %arg1: memref<17xi32, #tpu.memory_space<smem>>) -> (i32, i32, i32) {
    %get3A = arith.index_cast %arg0 : i32 to index
    %get3A_0 = memref.load %arg1[%get3A] : memref<17xi32, #tpu.memory_space<smem>>
    %c0_i32 = arith.constant 0 : i32
    %c0_i32_1 = arith.constant 0 : i32
    %c0_i32_2 = arith.constant 0 : i32
    return %get3A_0, %c0_i32, %c0_i32_1 : i32, i32, i32
  }
  func.func @transform_2(%arg0: i32, %arg1: memref<17xi32, #tpu.memory_space<smem>>) -> (i32, i32, i32) {
    %get3A = arith.index_cast %arg0 : i32 to index
    %get3A_0 = memref.load %arg1[%get3A] : memref<17xi32, #tpu.memory_space<smem>>
    %c0_i32 = arith.constant 0 : i32
    %c0_i32_1 = arith.constant 0 : i32
    %c0_i32_2 = arith.constant 0 : i32
    return %get3A_0, %c0_i32, %c0_i32_1 : i32, i32, i32
  }
  func.func @transform_3(%arg0: i32, %arg1: memref<17xi32, #tpu.memory_space<smem>>) -> (i32, i32, i32) {
    %get3A = arith.index_cast %arg0 : i32 to index
    %get3A_0 = memref.load %arg1[%get3A] : memref<17xi32, #tpu.memory_space<smem>>
    %c0_i32 = arith.constant 0 : i32
    %c0_i32_1 = arith.constant 0 : i32
    %c0_i32_2 = arith.constant 0 : i32
    return %get3A_0, %c0_i32, %c0_i32_1 : i32, i32, i32
  }
  func.func @transform_4(%arg0: i32, %arg1: memref<17xi32, #tpu.memory_space<smem>>) -> (i32, i32) {
    %c0_i32 = arith.constant 0 : i32
    %c0_i32_0 = arith.constant 0 : i32
    return %arg0, %c0_i32 : i32, i32
  }
}

module attributes {stable_mosaic.version = 14 : i64} {
  func.func @_shared_z_body(%arg0: i32, %arg1: memref<512x1024xf32, #tpu.memory_space<vmem>>, %arg2: memref<512x1024xf32, #tpu.memory_space<vmem>>, %arg3: memref<1x512xf32, #tpu.memory_space<vmem>>, %arg4: memref<512x1024xf32, #tpu.memory_space<vmem>>, %arg5: memref<1x512xf32, #tpu.memory_space<vmem>>, %arg6: memref<1024x512xf32, #tpu.memory_space<vmem>>, %arg7: memref<1x1024xf32, #tpu.memory_space<vmem>>, %arg8: memref<512x1024xf32, #tpu.memory_space<vmem>>) attributes {dimension_semantics = [#tpu.dimension_semantics<arbitrary>], iteration_bounds = array<i64: 4>, scalar_prefetch = 0 : i64, scratch_operands = 0 : i64, tpu.core_type = #tpu.core_type<tc>, window_params = [{transform_indices = @transform_0, window_bounds = array<i64: 512, 1024>}, {pipeline_mode = #tpu.pipeline_mode<synchronous>, transform_indices = @transform_1, window_bounds = array<i64: 512, 1024>}, {pipeline_mode = #tpu.pipeline_mode<synchronous>, transform_indices = @transform_2, window_bounds = array<i64: 1, 512>}, {pipeline_mode = #tpu.pipeline_mode<synchronous>, transform_indices = @transform_3, window_bounds = array<i64: 512, 1024>}, {pipeline_mode = #tpu.pipeline_mode<synchronous>, transform_indices = @transform_4, window_bounds = array<i64: 1, 512>}, {pipeline_mode = #tpu.pipeline_mode<synchronous>, transform_indices = @transform_5, window_bounds = array<i64: 1024, 512>}, {pipeline_mode = #tpu.pipeline_mode<synchronous>, transform_indices = @transform_6, window_bounds = array<i64: 1, 1024>}, {transform_indices = @transform_7, window_bounds = array<i64: 512, 1024>}]} {
    %get3A = arith.constant 0 : index
    %get3A_0 = arith.constant 0 : index
    %get3A_1 = vector.load %arg1[%get3A, %get3A_0] : memref<512x1024xf32, #tpu.memory_space<vmem>>, vector<512x1024xf32>
    %get3A_2 = arith.constant 0 : index
    %get3A_3 = arith.constant 0 : index
    %get3A_4 = vector.load %arg2[%get3A_2, %get3A_3] : memref<512x1024xf32, #tpu.memory_space<vmem>>, vector<512x1024xf32>
    %dot_general3A = arith.constant dense<0.000000e+00> : vector<512x512xf32>
    %dot_general3A_5 = tpu.matmul %get3A_1, %get3A_4, %dot_general3A {dimension_numbers = #tpu.dot_dimension_numbers<[1], [1], [0], [0], [0, 0, 1, 0], [], []>, transpose_lhs_hint = false} : vector<512x1024xf32>, vector<512x1024xf32>, vector<512x512xf32> -> vector<512x512xf32>
    %get3A_6 = arith.constant 0 : index
    %get3A_7 = arith.constant 0 : index
    %get3A_8 = vector.load %arg3[%get3A_6, %get3A_7] : memref<1x512xf32, #tpu.memory_space<vmem>>, vector<1x512xf32>
    %add3A = vector.broadcast %get3A_8 : vector<1x512xf32> to vector<512x512xf32>
    %add3A_9 = arith.addf %dot_general3A_5, %add3A : vector<512x512xf32>
    %get3A_10 = arith.constant 0 : index
    %get3A_11 = arith.constant 0 : index
    %get3A_12 = vector.load %arg4[%get3A_10, %get3A_11] : memref<512x1024xf32, #tpu.memory_space<vmem>>, vector<512x1024xf32>
    %dot_general3A_13 = arith.constant dense<0.000000e+00> : vector<512x512xf32>
    %dot_general3A_14 = tpu.matmul %get3A_1, %get3A_12, %dot_general3A_13 {dimension_numbers = #tpu.dot_dimension_numbers<[1], [1], [0], [0], [0, 0, 1, 0], [], []>, transpose_lhs_hint = false} : vector<512x1024xf32>, vector<512x1024xf32>, vector<512x512xf32> -> vector<512x512xf32>
    %get3A_15 = arith.constant 0 : index
    %get3A_16 = arith.constant 0 : index
    %get3A_17 = vector.load %arg5[%get3A_15, %get3A_16] : memref<1x512xf32, #tpu.memory_space<vmem>>, vector<1x512xf32>
    %add3A_18 = vector.broadcast %get3A_17 : vector<1x512xf32> to vector<512x512xf32>
    %add3A_19 = arith.addf %dot_general3A_14, %add3A_18 : vector<512x512xf32>
    %neg3A = arith.constant 0.000000e+00 : f32
    %neg3A_20 = vector.broadcast %neg3A : f32 to vector<512x512xf32>
    %neg3A_21 = arith.subf %neg3A_20, %add3A_9 : vector<512x512xf32>
    %exp3A = math.exp %neg3A_21 : vector<512x512xf32>
    %add3A_22 = arith.constant 1.000000e+00 : f32
    %add3A_23 = vector.broadcast %add3A_22 : f32 to vector<512x512xf32>
    %add3A_24 = arith.addf %add3A_23, %exp3A : vector<512x512xf32>
    %div3A = arith.constant 1.000000e+00 : f32
    %div3A_25 = vector.broadcast %div3A : f32 to vector<512x512xf32>
    %div3A_26 = arith.divf %div3A_25, %add3A_24 : vector<512x512xf32>
    %mul3A = arith.mulf %add3A_9, %div3A_26 : vector<512x512xf32>
    %mul3A_27 = arith.mulf %mul3A, %add3A_19 : vector<512x512xf32>
    %get3A_28 = arith.constant 0 : index
    %get3A_29 = arith.constant 0 : index
    %get3A_30 = vector.load %arg6[%get3A_28, %get3A_29] : memref<1024x512xf32, #tpu.memory_space<vmem>>, vector<1024x512xf32>
    %dot_general3A_31 = arith.constant dense<0.000000e+00> : vector<512x1024xf32>
    %dot_general3A_32 = tpu.matmul %mul3A_27, %get3A_30, %dot_general3A_31 {dimension_numbers = #tpu.dot_dimension_numbers<[1], [1], [0], [0], [0, 0, 1, 0], [], []>, transpose_lhs_hint = false} : vector<512x512xf32>, vector<1024x512xf32>, vector<512x1024xf32> -> vector<512x1024xf32>
    %get3A_33 = arith.constant 0 : index
    %get3A_34 = arith.constant 0 : index
    %get3A_35 = vector.load %arg7[%get3A_33, %get3A_34] : memref<1x1024xf32, #tpu.memory_space<vmem>>, vector<1x1024xf32>
    %add3A_36 = vector.broadcast %get3A_35 : vector<1x1024xf32> to vector<512x1024xf32>
    %add3A_37 = arith.addf %dot_general3A_32, %add3A_36 : vector<512x1024xf32>
    %swap3A = arith.constant 0 : index
    %swap3A_38 = arith.constant 0 : index
    %swap3A_39 = vector.load %arg8[%swap3A, %swap3A_38] : memref<512x1024xf32, #tpu.memory_space<vmem>>, vector<512x1024xf32>
    tpu.vector_store %arg8[%swap3A, %swap3A_38], %add3A_37 {strides = array<i32>} : memref<512x1024xf32, #tpu.memory_space<vmem>>, vector<512x1024xf32>,
    return
  }
  func.func @transform_0(%arg0: i32) -> (i32, i32) {
    %c0_i32 = arith.constant 0 : i32
    %c0_i32_0 = arith.constant 0 : i32
    return %arg0, %c0_i32 : i32, i32
  }
  func.func @transform_1(%arg0: i32) -> (i32, i32) {
    %c0_i32 = arith.constant 0 : i32
    %c0_i32_0 = arith.constant 0 : i32
    %c0_i32_1 = arith.constant 0 : i32
    return %c0_i32, %c0_i32_0 : i32, i32
  }
  func.func @transform_2(%arg0: i32) -> (i32, i32) {
    %c0_i32 = arith.constant 0 : i32
    %c0_i32_0 = arith.constant 0 : i32
    %c0_i32_1 = arith.constant 0 : i32
    return %c0_i32, %c0_i32_0 : i32, i32
  }
  func.func @transform_3(%arg0: i32) -> (i32, i32) {
    %c0_i32 = arith.constant 0 : i32
    %c0_i32_0 = arith.constant 0 : i32
    %c0_i32_1 = arith.constant 0 : i32
    return %c0_i32, %c0_i32_0 : i32, i32
  }
  func.func @transform_4(%arg0: i32) -> (i32, i32) {
    %c0_i32 = arith.constant 0 : i32
    %c0_i32_0 = arith.constant 0 : i32
    %c0_i32_1 = arith.constant 0 : i32
    return %c0_i32, %c0_i32_0 : i32, i32
  }
  func.func @transform_5(%arg0: i32) -> (i32, i32) {
    %c0_i32 = arith.constant 0 : i32
    %c0_i32_0 = arith.constant 0 : i32
    %c0_i32_1 = arith.constant 0 : i32
    return %c0_i32, %c0_i32_0 : i32, i32
  }
  func.func @transform_6(%arg0: i32) -> (i32, i32) {
    %c0_i32 = arith.constant 0 : i32
    %c0_i32_0 = arith.constant 0 : i32
    %c0_i32_1 = arith.constant 0 : i32
    return %c0_i32, %c0_i32_0 : i32, i32
  }
  func.func @transform_7(%arg0: i32) -> (i32, i32) {
    %c0_i32 = arith.constant 0 : i32
    %c0_i32_0 = arith.constant 0 : i32
    return %arg0, %c0_i32 : i32, i32
  }
}

module attributes {stable_mosaic.version = 14 : i64} {
  func.func @_gate_body(%arg0: memref<2048x1024xf32, #tpu.memory_space<vmem>>, %arg1: memref<8x1024xf32, #tpu.memory_space<vmem>>, %arg2: memref<2048x1xf32, #tpu.memory_space<vmem>>, %arg3: memref<2048x1xf32, #tpu.memory_space<vmem>>, %arg4: memref<2048x1xi32, #tpu.memory_space<vmem>>, %arg5: memref<2048x1xi32, #tpu.memory_space<vmem>>, %arg6: memref<17x1xi32, #tpu.memory_space<vmem>>, %arg7: memref<1x1xf32, #tpu.memory_space<vmem>>, %arg8: memref<2048x512xi32, #tpu.memory_space<vmem>>, %arg9: memref<4096x8xf32, #tpu.memory_space<vmem>>, %arg10: memref<4096x8xf32, #tpu.memory_space<vmem>>) attributes {dimension_semantics = [], scalar_prefetch = 0 : i64, scratch_operands = 2 : i64, tpu.core_type = #tpu.core_type<tc>} {
    %get3A = arith.constant 0 : index
    %get3A_0 = arith.constant 0 : index
    %get3A_1 = vector.load %arg0[%get3A, %get3A_0] : memref<2048x1024xf32, #tpu.memory_space<vmem>>, vector<2048x1024xf32>
    %slice3A = vector.extract_strided_slice %get3A_1 {offsets = [0, 0], sizes = [2048, 512], strides = [1, 1]} : vector<2048x1024xf32> to vector<2048x512xf32>
    %convert_element_type3A = arith.truncf %slice3A : vector<2048x512xf32> to vector<2048x512xbf16>
    %bitcast_convert_type3A = tpu.bitcast %convert_element_type3A : vector<2048x512xbf16> -> vector<2048x512xi16>
    %convert_element_type3A_2 = arith.extsi %bitcast_convert_type3A : vector<2048x512xi16> to vector<2048x512xi32>
    %slice3A_3 = vector.extract_strided_slice %get3A_1 {offsets = [0, 512], sizes = [2048, 512], strides = [1, 1]} : vector<2048x1024xf32> to vector<2048x512xf32>
    %convert_element_type3A_4 = arith.truncf %slice3A_3 : vector<2048x512xf32> to vector<2048x512xbf16>
    %bitcast_convert_type3A_5 = tpu.bitcast %convert_element_type3A_4 : vector<2048x512xbf16> -> vector<2048x512xi16>
    %convert_element_type3A_6 = arith.extsi %bitcast_convert_type3A_5 : vector<2048x512xi16> to vector<2048x512xi32>
    %shift_left3A = arith.constant 16 : i32
    %shift_left3A_7 = vector.broadcast %shift_left3A : i32 to vector<2048x512xi32>
    %shift_left3A_8 = arith.shli %convert_element_type3A_6, %shift_left3A_7 : vector<2048x512xi32>
    %and3A = arith.constant 65535 : i32
    %and3A_9 = vector.broadcast %and3A : i32 to vector<2048x512xi32>
    %and3A_10 = arith.andi %convert_element_type3A_2, %and3A_9 : vector<2048x512xi32>
    %or3A = arith.ori %shift_left3A_8, %and3A_10 : vector<2048x512xi32>
    %swap3A = arith.constant 0 : index
    %swap3A_11 = arith.constant 0 : index
    %swap3A_12 = vector.load %arg8[%swap3A, %swap3A_11] : memref<2048x512xi32, #tpu.memory_space<vmem>>, vector<2048x512xi32>
    tpu.vector_store %arg8[%swap3A, %swap3A_11], %or3A {strides = array<i32>} : memref<2048x512xi32, #tpu.memory_space<vmem>>, vector<2048x512xi32>,
    %get3A_13 = arith.constant 0 : index
    %get3A_14 = arith.constant 0 : index
    %get3A_15 = vector.load %arg1[%get3A_13, %get3A_14] : memref<8x1024xf32, #tpu.memory_space<vmem>>, vector<8x1024xf32>
    %dot_general3A = arith.constant dense<0.000000e+00> : vector<2048x8xf32>
    %dot_general3A_16 = tpu.matmul %get3A_1, %get3A_15, %dot_general3A {dimension_numbers = #tpu.dot_dimension_numbers<[1], [1], [0], [0], [0, 0, 1, 0], [], []>, transpose_lhs_hint = false} : vector<2048x1024xf32>, vector<8x1024xf32>, vector<2048x8xf32> -> vector<2048x8xf32>
    %neg3A = arith.constant 0.000000e+00 : f32
    %neg3A_17 = vector.broadcast %neg3A : f32 to vector<2048x8xf32>
    %neg3A_18 = arith.subf %neg3A_17, %dot_general3A_16 : vector<2048x8xf32>
    %exp3A = math.exp %neg3A_18 : vector<2048x8xf32>
    %add3A = arith.constant 1.000000e+00 : f32
    %add3A_19 = vector.broadcast %add3A : f32 to vector<2048x8xf32>
    %add3A_20 = arith.addf %add3A_19, %exp3A : vector<2048x8xf32>
    %div3A = arith.constant 1.000000e+00 : f32
    %div3A_21 = vector.broadcast %div3A : f32 to vector<2048x8xf32>
    %div3A_22 = arith.divf %div3A_21, %add3A_20 : vector<2048x8xf32>
    %iota3A = tpu.iota {dimensions = array<i32: 1>} : vector<2048x8xi32>
    %reduce_max3A = arith.constant dense<0xFF800000> : vector<2048xf32>
    %reduce_max3A_23 = vector.multi_reduction <maximumf>, %div3A_22, %reduce_max3A [1] : vector<2048x8xf32> to vector<2048xf32>
    %broadcast_in_dim3A = vector.shape_cast %reduce_max3A_23 : vector<2048xf32> to vector<2048x1xf32>
    %eq3A = vector.broadcast %broadcast_in_dim3A : vector<2048x1xf32> to vector<2048x8xf32>
    %eq3A_24 = arith.cmpf oeq, %div3A_22, %eq3A : vector<2048x8xf32>
    %jit3A = arith.constant 8 : i32
    %broadcast_in_dim3A_25 = vector.broadcast %jit3A : i32 to vector<2048x8xi32>
    %select_n3A = arith.select %eq3A_24, %iota3A, %broadcast_in_dim3A_25 : vector<2048x8xi1>, vector<2048x8xi32>
    %reduce_min3A = arith.constant dense<2147483647> : vector<2048xi32>
    %reduce_min3A_26 = vector.multi_reduction <minsi>, %select_n3A, %reduce_min3A [1] : vector<2048x8xi32> to vector<2048xi32>
    %broadcast_in_dim3A_27 = vector.shape_cast %reduce_min3A_26 : vector<2048xi32> to vector<2048x1xi32>
    %eq3A_28 = vector.broadcast %broadcast_in_dim3A_27 : vector<2048x1xi32> to vector<2048x8xi32>
    %eq3A_29 = arith.cmpi eq, %iota3A, %eq3A_28 : vector<2048x8xi32>
    %jit3A_30 = arith.constant -1.000000e+00 : f32
    %broadcast_in_dim3A_31 = vector.broadcast %jit3A_30 : f32 to vector<2048x8xf32>
    %select_n3A_32 = arith.select %eq3A_29, %broadcast_in_dim3A_31, %div3A_22 : vector<2048x8xi1>, vector<2048x8xf32>
    %reduce_max3A_33 = arith.constant dense<0xFF800000> : vector<2048xf32>
    %reduce_max3A_34 = vector.multi_reduction <maximumf>, %select_n3A_32, %reduce_max3A_33 [1] : vector<2048x8xf32> to vector<2048xf32>
    %broadcast_in_dim3A_35 = vector.shape_cast %reduce_max3A_34 : vector<2048xf32> to vector<2048x1xf32>
    %eq3A_36 = vector.broadcast %broadcast_in_dim3A_35 : vector<2048x1xf32> to vector<2048x8xf32>
    %eq3A_37 = arith.cmpf oeq, %select_n3A_32, %eq3A_36 : vector<2048x8xf32>
    %jit3A_38 = arith.constant 8 : i32
    %broadcast_in_dim3A_39 = vector.broadcast %jit3A_38 : i32 to vector<2048x8xi32>
    %select_n3A_40 = arith.select %eq3A_37, %iota3A, %broadcast_in_dim3A_39 : vector<2048x8xi1>, vector<2048x8xi32>
    %reduce_min3A_41 = arith.constant dense<2147483647> : vector<2048xi32>
    %reduce_min3A_42 = vector.multi_reduction <minsi>, %select_n3A_40, %reduce_min3A_41 [1] : vector<2048x8xi32> to vector<2048xi32>
    %broadcast_in_dim3A_43 = vector.shape_cast %reduce_min3A_42 : vector<2048xi32> to vector<2048x1xi32>
    %add3A_44 = arith.addf %broadcast_in_dim3A, %broadcast_in_dim3A_35 : vector<2048x1xf32>
    %div3A_45 = arith.divf %broadcast_in_dim3A, %add3A_44 : vector<2048x1xf32>
    %swap3A_46 = arith.constant 0 : index
    %swap3A_47 = arith.constant 0 : index
    %swap3A_48 = vector.load %arg2[%swap3A_46, %swap3A_47] : memref<2048x1xf32, #tpu.memory_space<vmem>>, vector<2048x1xf32>
    tpu.vector_store %arg2[%swap3A_46, %swap3A_47], %div3A_45 {strides = array<i32>} : memref<2048x1xf32, #tpu.memory_space<vmem>>, vector<2048x1xf32>,
    %div3A_49 = arith.divf %broadcast_in_dim3A_35, %add3A_44 : vector<2048x1xf32>
    %swap3A_50 = arith.constant 0 : index
    %swap3A_51 = arith.constant 0 : index
    %swap3A_52 = vector.load %arg3[%swap3A_50, %swap3A_51] : memref<2048x1xf32, #tpu.memory_space<vmem>>, vector<2048x1xf32>
    tpu.vector_store %arg3[%swap3A_50, %swap3A_51], %div3A_49 {strides = array<i32>} : memref<2048x1xf32, #tpu.memory_space<vmem>>, vector<2048x1xf32>,
    %eq3A_53 = vector.broadcast %broadcast_in_dim3A_27 : vector<2048x1xi32> to vector<2048x8xi32>
    %eq3A_54 = arith.cmpi eq, %iota3A, %eq3A_53 : vector<2048x8xi32>
    %convert_element_type3A_55 = arith.extui %eq3A_54 : vector<2048x8xi1> to vector<2048x8xi32>
    %convert_element_type3A_56 = arith.sitofp %convert_element_type3A_55 : vector<2048x8xi32> to vector<2048x8xf32>
    %eq3A_57 = vector.broadcast %broadcast_in_dim3A_43 : vector<2048x1xi32> to vector<2048x8xi32>
    %eq3A_58 = arith.cmpi eq, %iota3A, %eq3A_57 : vector<2048x8xi32>
    %convert_element_type3A_59 = arith.extui %eq3A_58 : vector<2048x8xi1> to vector<2048x8xi32>
    %convert_element_type3A_60 = arith.sitofp %convert_element_type3A_59 : vector<2048x8xi32> to vector<2048x8xf32>
    %reduce_sum3A = arith.constant dense<0.000000e+00> : vector<8xf32>
    %reduce_sum3A_61 = vector.multi_reduction <add>, %convert_element_type3A_56, %reduce_sum3A [0] : vector<2048x8xf32> to vector<8xf32>
    %broadcast_in_dim3A_62 = vector.shape_cast %reduce_sum3A_61 : vector<8xf32> to vector<1x8xf32>
    %reduce_sum3A_63 = arith.constant dense<0.000000e+00> : vector<8xf32>
    %reduce_sum3A_64 = vector.multi_reduction <add>, %convert_element_type3A_60, %reduce_sum3A_63 [0] : vector<2048x8xf32> to vector<8xf32>
    %broadcast_in_dim3A_65 = vector.shape_cast %reduce_sum3A_64 : vector<8xf32> to vector<1x8xf32>
    %add3A_66 = arith.addf %broadcast_in_dim3A_62, %broadcast_in_dim3A_65 : vector<1x8xf32>
    %div3A_67 = arith.divf %broadcast_in_dim3A, %add3A_44 : vector<2048x1xf32>
    %mul3A = vector.broadcast %div3A_67 : vector<2048x1xf32> to vector<2048x8xf32>
    %mul3A_68 = arith.mulf %mul3A, %convert_element_type3A_56 : vector<2048x8xf32>
    %div3A_69 = arith.divf %broadcast_in_dim3A_35, %add3A_44 : vector<2048x1xf32>
    %mul3A_70 = vector.broadcast %div3A_69 : vector<2048x1xf32> to vector<2048x8xf32>
    %mul3A_71 = arith.mulf %mul3A_70, %convert_element_type3A_60 : vector<2048x8xf32>
    %add3A_72 = arith.addf %mul3A_68, %mul3A_71 : vector<2048x8xf32>
    %reduce_sum3A_73 = arith.constant dense<0.000000e+00> : vector<8xf32>
    %reduce_sum3A_74 = vector.multi_reduction <add>, %add3A_72, %reduce_sum3A_73 [0] : vector<2048x8xf32> to vector<8xf32>
    %broadcast_in_dim3A_75 = vector.shape_cast %reduce_sum3A_74 : vector<8xf32> to vector<1x8xf32>
    %mul3A_76 = arith.constant 8.000000e+00 : f32
    %mul3A_77 = vector.broadcast %mul3A_76 : f32 to vector<1x8xf32>
    %mul3A_78 = arith.mulf %mul3A_77, %add3A_66 : vector<1x8xf32>
    %div3A_79 = arith.constant 4.096000e+03 : f32
    %div3A_80 = vector.broadcast %div3A_79 : f32 to vector<1x8xf32>
    %div3A_81 = arith.divf %mul3A_78, %div3A_80 : vector<1x8xf32>
    %mul3A_82 = arith.mulf %div3A_81, %broadcast_in_dim3A_75 : vector<1x8xf32>
    %div3A_83 = arith.constant 2.048000e+03 : f32
    %div3A_84 = vector.broadcast %div3A_83 : f32 to vector<1x8xf32>
    %div3A_85 = arith.divf %mul3A_82, %div3A_84 : vector<1x8xf32>
    %reduce_sum3A_86 = arith.constant dense<0.000000e+00> : vector<1xf32>
    %reduce_sum3A_87 = vector.multi_reduction <add>, %div3A_85, %reduce_sum3A_86 [1] : vector<1x8xf32> to vector<1xf32>
    %broadcast_in_dim3A_88 = vector.shape_cast %reduce_sum3A_87 : vector<1xf32> to vector<1x1xf32>
    %swap3A_89 = arith.constant 0 : index
    %swap3A_90 = arith.constant 0 : index
    %swap3A_91 = vector.load %arg7[%swap3A_89, %swap3A_90] : memref<1x1xf32, #tpu.memory_space<vmem>>, vector<1x1xf32>
    tpu.vector_store %arg7[%swap3A_89, %swap3A_90], %broadcast_in_dim3A_88 {strides = array<i32>} : memref<1x1xf32, #tpu.memory_space<vmem>>, vector<1x1xf32>,
    %concatenate3A = tpu.concatenate %convert_element_type3A_56, %convert_element_type3A_60 in 0 : vector<2048x8xf32>, vector<2048x8xf32> -> vector<4096x8xf32>
    %swap3A_92 = arith.constant 0 : index
    %swap3A_93 = arith.constant 0 : index
    %swap3A_94 = vector.load %arg10[%swap3A_92, %swap3A_93] : memref<4096x8xf32, #tpu.memory_space<vmem>>, vector<4096x8xf32>
    tpu.vector_store %arg10[%swap3A_92, %swap3A_93], %concatenate3A {strides = array<i32>} : memref<4096x8xf32, #tpu.memory_space<vmem>>, vector<4096x8xf32>,
    %iota3A_95 = tpu.iota {dimensions = array<i32: 0>} : vector<1024x1024xi32>
    %iota3A_96 = tpu.iota {dimensions = array<i32: 1>} : vector<1024x1024xi32>
    %gt3A = arith.cmpi sgt, %iota3A_95, %iota3A_96 : vector<1024x1024xi32>
    %convert_element_type3A_97 = arith.extui %gt3A : vector<1024x1024xi1> to vector<1024x1024xi32>
    %convert_element_type3A_98 = arith.sitofp %convert_element_type3A_97 : vector<1024x1024xi32> to vector<1024x1024xf32>
    %broadcast_in_dim3A_99 = arith.constant 0.000000e+00 : f32
    %broadcast_in_dim3A_100 = vector.broadcast %broadcast_in_dim3A_99 : f32 to vector<1x8xf32>
    %scan3A = arith.constant 0 : i32
    %scan3A_101 = arith.constant 4 : i32
    %scan3A_102 = arith.addi %scan3A, %scan3A_101 : i32
    %scan3A_103 = arith.constant 1 : i32
    %scan3A_104 = scf.for %scan3A_168 = %scan3A to %scan3A_102 step %scan3A_103 iter_args(%scan3A_169 = %broadcast_in_dim3A_100) -> (vector<1x8xf32>)  : i32 {
      %mul3A_170 = arith.constant 1024 : i32
      %mul3A_171 = arith.muli %scan3A_168, %mul3A_170 : i32
      %get3A_172 = arith.index_cast %mul3A_171 : i32 to index
      %get3A_173 = arith.constant 0 : index
      %get3A_174 = vector.load %arg10[%get3A_172, %get3A_173] : memref<4096x8xf32, #tpu.memory_space<vmem>>, vector<1024x8xf32>
      %dot_general3A_175 = arith.constant dense<0.000000e+00> : vector<1024x8xf32>
      %dot_general3A_176 = tpu.matmul %convert_element_type3A_98, %get3A_174, %dot_general3A_175 {dimension_numbers = #tpu.dot_dimension_numbers<[1], [0], [0], [1], [0, 0, 1, 1], [], []>, transpose_lhs_hint = false} : vector<1024x1024xf32>, vector<1024x8xf32>, vector<1024x8xf32> -> vector<1024x8xf32>
      %add3A_177 = vector.broadcast %scan3A_169 : vector<1x8xf32> to vector<1024x8xf32>
      %add3A_178 = arith.addf %dot_general3A_176, %add3A_177 : vector<1024x8xf32>
      %mul3A_179 = arith.constant 1024 : i32
      %mul3A_180 = arith.muli %scan3A_168, %mul3A_179 : i32
      %swap3A_181 = arith.index_cast %mul3A_180 : i32 to index
      %swap3A_182 = arith.constant 0 : index
      %swap3A_183 = vector.load %arg9[%swap3A_181, %swap3A_182] : memref<4096x8xf32, #tpu.memory_space<vmem>>, vector<1024x8xf32>
      tpu.vector_store %arg9[%swap3A_181, %swap3A_182], %add3A_178 {strides = array<i32>} : memref<4096x8xf32, #tpu.memory_space<vmem>>, vector<1024x8xf32>,
      %reduce_sum3A_184 = arith.constant dense<0.000000e+00> : vector<8xf32>
      %reduce_sum3A_185 = vector.multi_reduction <add>, %get3A_174, %reduce_sum3A_184 [0] : vector<1024x8xf32> to vector<8xf32>
      %broadcast_in_dim3A_186 = vector.shape_cast %reduce_sum3A_185 : vector<8xf32> to vector<1x8xf32>
      %add3A_187 = arith.addf %scan3A_169, %broadcast_in_dim3A_186 : vector<1x8xf32>
      scf.yield %add3A_187 : vector<1x8xf32>
    }
    %scan3A_105 = arith.constant 4 : i32
    %get3A_106 = arith.constant 0 : index
    %get3A_107 = arith.constant 0 : index
    %get3A_108 = vector.load %arg9[%get3A_106, %get3A_107] : memref<4096x8xf32, #tpu.memory_space<vmem>>, vector<4096x8xf32>
    %div3A_109 = arith.constant 5.120000e+02 : f32
    %div3A_110 = vector.broadcast %div3A_109 : f32 to vector<1x8xf32>
    %div3A_111 = arith.divf %add3A_66, %div3A_110 : vector<1x8xf32>
    %ceil3A = math.ceil %div3A_111 : vector<1x8xf32>
    %mul3A_112 = arith.constant 5.120000e+02 : f32
    %mul3A_113 = vector.broadcast %mul3A_112 : f32 to vector<1x8xf32>
    %mul3A_114 = arith.mulf %ceil3A, %mul3A_113 : vector<1x8xf32>
    %iota3A_115 = tpu.iota {dimensions = array<i32: 0>} : vector<8x8xi32>
    %iota3A_116 = tpu.iota {dimensions = array<i32: 1>} : vector<8x8xi32>
    %lt3A = arith.cmpi slt, %iota3A_115, %iota3A_116 : vector<8x8xi32>
    %convert_element_type3A_117 = arith.extui %lt3A : vector<8x8xi1> to vector<8x8xi32>
    %convert_element_type3A_118 = arith.sitofp %convert_element_type3A_117 : vector<8x8xi32> to vector<8x8xf32>
    %dot_general3A_119 = arith.constant dense<0.000000e+00> : vector<1x8xf32>
    %dot_general3A_120 = tpu.matmul %mul3A_114, %convert_element_type3A_118, %dot_general3A_119 {dimension_numbers = #tpu.dot_dimension_numbers<[1], [0], [0], [1], [0, 0, 1, 1], [], []>, transpose_lhs_hint = false} : vector<1x8xf32>, vector<8x8xf32>, vector<1x8xf32> -> vector<1x8xf32>
    %add3A_121 = vector.broadcast %dot_general3A_120 : vector<1x8xf32> to vector<4096x8xf32>
    %add3A_122 = arith.addf %add3A_121, %get3A_108 : vector<4096x8xf32>
    %mul3A_123 = arith.mulf %add3A_122, %concatenate3A : vector<4096x8xf32>
    %reduce_sum3A_124 = arith.constant dense<0.000000e+00> : vector<4096xf32>
    %reduce_sum3A_125 = vector.multi_reduction <add>, %mul3A_123, %reduce_sum3A_124 [1] : vector<4096x8xf32> to vector<4096xf32>
    %broadcast_in_dim3A_126 = vector.shape_cast %reduce_sum3A_125 : vector<4096xf32> to vector<4096x1xf32>
    %convert_element_type3A_127 = arith.fptosi %broadcast_in_dim3A_126 : vector<4096x1xf32> to vector<4096x1xi32>
    %slice3A_128 = vector.extract_strided_slice %convert_element_type3A_127 {offsets = [0, 0], sizes = [2048, 1], strides = [1, 1]} : vector<4096x1xi32> to vector<2048x1xi32>
    %swap3A_129 = arith.constant 0 : index
    %swap3A_130 = arith.constant 0 : index
    %swap3A_131 = vector.load %arg4[%swap3A_129, %swap3A_130] : memref<2048x1xi32, #tpu.memory_space<vmem>>, vector<2048x1xi32>
    tpu.vector_store %arg4[%swap3A_129, %swap3A_130], %slice3A_128 {strides = array<i32>} : memref<2048x1xi32, #tpu.memory_space<vmem>>, vector<2048x1xi32>,
    %slice3A_132 = vector.extract_strided_slice %convert_element_type3A_127 {offsets = [2048, 0], sizes = [2048, 1], strides = [1, 1]} : vector<4096x1xi32> to vector<2048x1xi32>
    %swap3A_133 = arith.constant 0 : index
    %swap3A_134 = arith.constant 0 : index
    %swap3A_135 = vector.load %arg5[%swap3A_133, %swap3A_134] : memref<2048x1xi32, #tpu.memory_space<vmem>>, vector<2048x1xi32>
    tpu.vector_store %arg5[%swap3A_133, %swap3A_134], %slice3A_132 {strides = array<i32>} : memref<2048x1xi32, #tpu.memory_space<vmem>>, vector<2048x1xi32>,
    %add3A_136 = arith.addf %dot_general3A_120, %mul3A_114 : vector<1x8xf32>
    %iota3A_137 = tpu.iota {dimensions = array<i32: 0>} : vector<17x8xi32>
    %mul3A_138 = arith.constant 512 : i32
    %mul3A_139 = vector.broadcast %mul3A_138 : i32 to vector<17x8xi32>
    %mul3A_140 = arith.muli %iota3A_137, %mul3A_139 : vector<17x8xi32>
    %convert_element_type3A_141 = arith.sitofp %mul3A_140 : vector<17x8xi32> to vector<17x8xf32>
    %ge3A = vector.broadcast %add3A_136 : vector<1x8xf32> to vector<17x8xf32>
    %ge3A_142 = arith.cmpf oge, %convert_element_type3A_141, %ge3A : vector<17x8xf32>
    %convert_element_type3A_143 = arith.extui %ge3A_142 : vector<17x8xi1> to vector<17x8xi32>
    %reduce_sum3A_144 = arith.constant dense<0> : vector<17xi32>
    %reduce_sum3A_145 = vector.multi_reduction <add>, %convert_element_type3A_143, %reduce_sum3A_144 [1] : vector<17x8xi32> to vector<17xi32>
    %broadcast_in_dim3A_146 = vector.shape_cast %reduce_sum3A_145 : vector<17xi32> to vector<17x1xi32>
    %reduce_sum3A_147 = arith.constant dense<0.000000e+00> : vector<1xf32>
    %reduce_sum3A_148 = vector.multi_reduction <add>, %mul3A_114, %reduce_sum3A_147 [1] : vector<1x8xf32> to vector<1xf32>
    %broadcast_in_dim3A_149 = vector.shape_cast %reduce_sum3A_148 : vector<1xf32> to vector<1x1xf32>
    %div3A_150 = arith.constant 5.120000e+02 : f32
    %div3A_151 = vector.broadcast %div3A_150 : f32 to vector<1x1xf32>
    %div3A_152 = arith.divf %broadcast_in_dim3A_149, %div3A_151 : vector<1x1xf32>
    %iota3A_153 = tpu.iota {dimensions = array<i32: 0>} : vector<17x1xi32>
    %lt3A_154 = arith.constant 16 : i32
    %lt3A_155 = vector.broadcast %lt3A_154 : i32 to vector<17x1xi32>
    %lt3A_156 = arith.cmpi slt, %iota3A_153, %lt3A_155 : vector<17x1xi32>
    %jit3A_157 = arith.constant 0 : i32
    %jit3A_158 = arith.constant 7 : i32
    %max3A = vector.broadcast %jit3A_157 : i32 to vector<17x1xi32>
    %max3A_159 = arith.maxsi %max3A, %broadcast_in_dim3A_146 : vector<17x1xi32>
    %min3A = vector.broadcast %jit3A_158 : i32 to vector<17x1xi32>
    %min3A_160 = arith.minsi %min3A, %max3A_159 : vector<17x1xi32>
    %convert_element_type3A_161 = arith.fptosi %div3A_152 : vector<1x1xf32> to vector<1x1xi32>
    %broadcast_in_dim3A_162 = vector.shape_cast %convert_element_type3A_161 : vector<1x1xi32> to vector<1x1xi32>
    %broadcast_in_dim3A_163 = vector.broadcast %broadcast_in_dim3A_162 : vector<1x1xi32> to vector<17x1xi32>
    %select_n3A_164 = arith.select %lt3A_156, %min3A_160, %broadcast_in_dim3A_163 : vector<17x1xi1>, vector<17x1xi32>
    %swap3A_165 = arith.constant 0 : index
    %swap3A_166 = arith.constant 0 : index
    %swap3A_167 = vector.load %arg6[%swap3A_165, %swap3A_166] : memref<17x1xi32, #tpu.memory_space<vmem>>, vector<17x1xi32>
    tpu.vector_store %arg6[%swap3A_165, %swap3A_166], %select_n3A_164 {strides = array<i32>} : memref<17x1xi32, #tpu.memory_space<vmem>>, vector<17x1xi32>,
    return
  }
}

module attributes {stable_mosaic.version = 14 : i64} {
  func.func @_combine_body(%arg0: i32, %arg1: memref<1024x1024xf32, #tpu.memory_space<vmem>>, %arg2: memref<1024x512xi32, #tpu.memory_space<vmem>>, %arg3: memref<1024x512xi32, #tpu.memory_space<vmem>>, %arg4: memref<1024x1xf32, #tpu.memory_space<vmem>>, %arg5: memref<1024x1xf32, #tpu.memory_space<vmem>>, %arg6: memref<1024x1024xf32, #tpu.memory_space<vmem>>) attributes {dimension_semantics = [#tpu.dimension_semantics<arbitrary>], iteration_bounds = array<i64: 2>, scalar_prefetch = 0 : i64, scratch_operands = 0 : i64, tpu.core_type = #tpu.core_type<tc>, window_params = [{transform_indices = @transform_0, window_bounds = array<i64: 1024, 1024>}, {transform_indices = @transform_1, window_bounds = array<i64: 1024, 512>}, {transform_indices = @transform_2, window_bounds = array<i64: 1024, 512>}, {transform_indices = @transform_3, window_bounds = array<i64: 1024, 1>}, {transform_indices = @transform_4, window_bounds = array<i64: 1024, 1>}, {transform_indices = @transform_5, window_bounds = array<i64: 1024, 1024>}]} {
    %get3A = arith.constant 0 : index
    %get3A_0 = arith.constant 0 : index
    %get3A_1 = vector.load %arg1[%get3A, %get3A_0] : memref<1024x1024xf32, #tpu.memory_space<vmem>>, vector<1024x1024xf32>
    %get3A_2 = arith.constant 0 : index
    %get3A_3 = arith.constant 0 : index
    %get3A_4 = vector.load %arg4[%get3A_2, %get3A_3] : memref<1024x1xf32, #tpu.memory_space<vmem>>, vector<1024x1xf32>
    %get3A_5 = arith.constant 0 : index
    %get3A_6 = arith.constant 0 : index
    %get3A_7 = vector.load %arg2[%get3A_5, %get3A_6] : memref<1024x512xi32, #tpu.memory_space<vmem>>, vector<1024x512xi32>
    %and3A = arith.constant 65535 : i32
    %and3A_8 = vector.broadcast %and3A : i32 to vector<1024x512xi32>
    %and3A_9 = arith.andi %get3A_7, %and3A_8 : vector<1024x512xi32>
    %convert_element_type3A = arith.trunci %and3A_9 : vector<1024x512xi32> to vector<1024x512xi16>
    %bitcast_convert_type3A = tpu.bitcast %convert_element_type3A : vector<1024x512xi16> -> vector<1024x512xbf16>
    %convert_element_type3A_10 = arith.extf %bitcast_convert_type3A : vector<1024x512xbf16> to vector<1024x512xf32>
    %shift_right_logical3A = arith.constant 16 : i32
    %shift_right_logical3A_11 = vector.broadcast %shift_right_logical3A : i32 to vector<1024x512xi32>
    %shift_right_logical3A_12 = arith.shrui %get3A_7, %shift_right_logical3A_11 : vector<1024x512xi32>
    %convert_element_type3A_13 = arith.trunci %shift_right_logical3A_12 : vector<1024x512xi32> to vector<1024x512xi16>
    %bitcast_convert_type3A_14 = tpu.bitcast %convert_element_type3A_13 : vector<1024x512xi16> -> vector<1024x512xbf16>
    %convert_element_type3A_15 = arith.extf %bitcast_convert_type3A_14 : vector<1024x512xbf16> to vector<1024x512xf32>
    %concatenate3A = tpu.concatenate %convert_element_type3A_10, %convert_element_type3A_15 in 1 : vector<1024x512xf32>, vector<1024x512xf32> -> vector<1024x1024xf32>
    %mul3A = vector.broadcast %get3A_4 : vector<1024x1xf32> to vector<1024x1024xf32>
    %mul3A_16 = arith.mulf %mul3A, %concatenate3A : vector<1024x1024xf32>
    %add3A = arith.addf %get3A_1, %mul3A_16 : vector<1024x1024xf32>
    %get3A_17 = arith.constant 0 : index
    %get3A_18 = arith.constant 0 : index
    %get3A_19 = vector.load %arg5[%get3A_17, %get3A_18] : memref<1024x1xf32, #tpu.memory_space<vmem>>, vector<1024x1xf32>
    %get3A_20 = arith.constant 0 : index
    %get3A_21 = arith.constant 0 : index
    %get3A_22 = vector.load %arg3[%get3A_20, %get3A_21] : memref<1024x512xi32, #tpu.memory_space<vmem>>, vector<1024x512xi32>
    %and3A_23 = arith.constant 65535 : i32
    %and3A_24 = vector.broadcast %and3A_23 : i32 to vector<1024x512xi32>
    %and3A_25 = arith.andi %get3A_22, %and3A_24 : vector<1024x512xi32>
    %convert_element_type3A_26 = arith.trunci %and3A_25 : vector<1024x512xi32> to vector<1024x512xi16>
    %bitcast_convert_type3A_27 = tpu.bitcast %convert_element_type3A_26 : vector<1024x512xi16> -> vector<1024x512xbf16>
    %convert_element_type3A_28 = arith.extf %bitcast_convert_type3A_27 : vector<1024x512xbf16> to vector<1024x512xf32>
    %shift_right_logical3A_29 = arith.constant 16 : i32
    %shift_right_logical3A_30 = vector.broadcast %shift_right_logical3A_29 : i32 to vector<1024x512xi32>
    %shift_right_logical3A_31 = arith.shrui %get3A_22, %shift_right_logical3A_30 : vector<1024x512xi32>
    %convert_element_type3A_32 = arith.trunci %shift_right_logical3A_31 : vector<1024x512xi32> to vector<1024x512xi16>
    %bitcast_convert_type3A_33 = tpu.bitcast %convert_element_type3A_32 : vector<1024x512xi16> -> vector<1024x512xbf16>
    %convert_element_type3A_34 = arith.extf %bitcast_convert_type3A_33 : vector<1024x512xbf16> to vector<1024x512xf32>
    %concatenate3A_35 = tpu.concatenate %convert_element_type3A_28, %convert_element_type3A_34 in 1 : vector<1024x512xf32>, vector<1024x512xf32> -> vector<1024x1024xf32>
    %mul3A_36 = vector.broadcast %get3A_19 : vector<1024x1xf32> to vector<1024x1024xf32>
    %mul3A_37 = arith.mulf %mul3A_36, %concatenate3A_35 : vector<1024x1024xf32>
    %add3A_38 = arith.addf %add3A, %mul3A_37 : vector<1024x1024xf32>
    %swap3A = arith.constant 0 : index
    %swap3A_39 = arith.constant 0 : index
    %swap3A_40 = vector.load %arg6[%swap3A, %swap3A_39] : memref<1024x1024xf32, #tpu.memory_space<vmem>>, vector<1024x1024xf32>
    tpu.vector_store %arg6[%swap3A, %swap3A_39], %add3A_38 {strides = array<i32>} : memref<1024x1024xf32, #tpu.memory_space<vmem>>, vector<1024x1024xf32>,
    return
  }
  func.func @transform_0(%arg0: i32) -> (i32, i32) {
    %c0_i32 = arith.constant 0 : i32
    %c0_i32_0 = arith.constant 0 : i32
    return %arg0, %c0_i32 : i32, i32
  }
  func.func @transform_1(%arg0: i32) -> (i32, i32) {
    %c0_i32 = arith.constant 0 : i32
    %c0_i32_0 = arith.constant 0 : i32
    return %arg0, %c0_i32 : i32, i32
  }
  func.func @transform_2(%arg0: i32) -> (i32, i32) {
    %c0_i32 = arith.constant 0 : i32
    %c0_i32_0 = arith.constant 0 : i32
    return %arg0, %c0_i32 : i32, i32
  }
  func.func @transform_3(%arg0: i32) -> (i32, i32) {
    %c0_i32 = arith.constant 0 : i32
    %c0_i32_0 = arith.constant 0 : i32
    return %arg0, %c0_i32 : i32, i32
  }
  func.func @transform_4(%arg0: i32) -> (i32, i32) {
    %c0_i32 = arith.constant 0 : i32
    %c0_i32_0 = arith.constant 0 : i32
    return %arg0, %c0_i32 : i32, i32
  }
  func.func @transform_5(%arg0: i32) -> (i32, i32) {
    %c0_i32 = arith.constant 0 : i32
    %c0_i32_0 = arith.constant 0 : i32
    return %arg0, %c0_i32 : i32, i32
  }
}

</mosaic_0001>

<sc_bundles>
// kernel: kernel.11.cloned.1.call-start
scs
__scs_entry_jumppad:
0x0: {  	(pc) =	sbr.rel $0x88, $3  }
0x1: {  	(tag) =	ssettag $0x0;
	lr =	simm.s32 $0x1  }
0x2: {  	[smem:$0x3F96] =	sst lr;
	_ =	strace $0xD0000000  }
0x3: {  	_ = 	snop  }
0x4: {  	_ = 	snop  }
0x5: {  	_ = 	snop  }
0x6: {  	_ = 	snop  }
0x7: {  	_ = 	snop  }
__scs_overlays_trampoline_lowered:
0x8: {  	[smem:$0x3FA5] =	sst s0  }
0x9: {  	[smem:$0x3FA6] =	sst s1  }
0xa: {  	[smem:$0x3FA7] =	sst s2  }
0xb: {  	[smem:$0x3FA8] =	sst s3  }
0xc: {  	[smem:$0x3FA9] =	sst s4  }
0xd: {  	[smem:$0x3FAA] =	sst s5  }
0xe: {  	[smem:$0x3FAB] =	sst s6  }
0xf: {  	[smem:$0x3FAC] =	sst s7  }
0x10: {  	[smem:$0x3FAD] =	sst s8  }
0x11: {  	[smem:$0x3FAE] =	sst s9;
	s0 =	simm.s32 @!p0 $0x0  }
0x12: {  	s1 =	sld [smem:$0x3F94];
	s0 =	simm.s32 @p0 $0x1  }
0x13: {  	[smem:$0x3FAF] =	sst s0;
	s0 =	simm.s32 @!p1 $0x0  }
0x14: {  	s2 =	sld [smem:$0x3F93];
	s0 =	simm.s32 @p1 $0x1  }
0x15: {  	[smem:$0x3FB0] =	sst s0;
	s0 =	simm.s32 @!p2 $0x0  }
0x16: {  	s3 =	sld [smem:$0x3FDB];
	s0 =	simm.s32 @p2 $0x1  }
0x17: {  	s4 =	simm.s32 $0x1BF5;
	[smem:$0x3FB2] =	sst s0  }
0x18: {  	s0 =	sld [smem:$0x3F95];
	_ =	swait.ge [sflag:s4], $0x0  }
0x19: {  	s7 =	sld [smem:$0x3F96]  }
0x1a: {  	s8 =	sadd.s32 $0xFFFFE003, lr  }
0x1b: {  	s9 =	sadd.s32 $0xFFFFFEF7, lr;
	s5 =	simm.s32 $0xFFFFFFFF;
	p2 =	slt.u32 s8, $0xFFFFF086  }
0x1c: {  	p1 =	slt.u32 s9, $0xF7A;
	s5 =	simm.s32 @!p2 $0x0  }
0x1d: {  	s5 =	simm.s32 @p1 $0x1;
	p0 =	seq.s32 s7, s2  }
0x1e: {  	s7 =	smul.u32 @!p0 $0xF7A, s2;
	p2 =	seq.s32 @!p0 s5, $0x0  }
0x1f: {  	s9 =	smul.u32 $0xF7A, s1;
	s8 =	simm.s32 @!p0 $0x1BF5;
	p2 =	por !p2, p0  }
0x20: {  	[sflag:s8] =	ssyncset.s32 @!p0 $0xFFFFF086;
	s6 =	sadd.s32 @!p0 s3, s7;
	s7 =	simm.s32 @!p0 $0x108  }
0x21: {  	s3 =	sadd.s32 s3, s9;
	s6 =	sadd.s32 @!p0 $0x88, s6;
	s7 =	simm.s32 @p2 $0x1082  }
0x22: {  	[simem:s7], [sflag:s8] =	dma.local @!p0 [hbm:s6], $0xF7A  }
0x23: {  	s9 =	sor.u32 $0xD0000000, s2;
	s6 =	simm.s32 $0x108;
	_ =	swait.ge @!p0 [sflag:s8], $0x0  }
0x24: {  	s3 =	sadd.s32 $0x88, s3;
	s6 =	simm.s32 @!p1 $0x1082;
	[sflag:s4] =	ssyncset.s32 $0xFFFFF086  }
0x25: {  	[simem:s6], [sflag:s4] =	dma.local [hbm:s3], $0xF7A  }
0x26: {  	[smem:$0x3F96] =	sst s1;
	(tag) =	ssettag s2;
	_ =	strace s9  }
0x27: {  	s1 =	sld [smem:$0x3FA6]  }
0x28: {  	s2 =	sld [smem:$0x3FA7]  }
0x29: {  	s4 =	sld [smem:$0x3FA9]  }
0x2a: {  	p0 =	seq.s32 s5, $0x0;
	s5 =	sld [smem:$0x3FAA]  }
0x2b: {  	s6 =	sld [smem:$0x3FAB]  }
0x2c: {  	s7 =	sld [smem:$0x3FAC]  }
0x2d: {  	s3 =	simm.s32 $0x108;
	s8 =	sld [smem:$0x3FAD]  }
0x2e: {  	s3 =	simm.s32 @!p0 $0x1082;
	s9 =	sld [smem:$0x3FAE]  }
0x2f: {  	lr =	sadd.s32 s0, s3;
	s0 =	sld [smem:$0x3FA5]  }
0x30: {  	s3 =	sld [smem:$0x3FA8]  }
0x31: {  	[smem:$0x3FB1] =	sst s10  }
0x32: {  	s10 =	sld [smem:$0x3FAF];
	_ =	sdelay $0x3  }
0x33: {  	p0 =	seq.s32 s10, $0x1;
	s10 =	sld [smem:$0x3FB1];
	_ =	sdelay $0x3  }
0x34: {  	[smem:$0x3FB1] =	sst s10  }
0x35: {  	s10 =	sld [smem:$0x3FB0];
	_ =	sdelay $0x3  }
0x36: {  	p1 =	seq.s32 s10, $0x1;
	s10 =	sld [smem:$0x3FB1];
	_ =	sdelay $0x3  }
0x37: {  	[smem:$0x3FB1] =	sst s10  }
0x38: {  	s10 =	sld [smem:$0x3FB2]  }
0x39: {  	_ = 	snop;
	(pc) =	sbr.ind lr, $3  }
0x3a: {  	_ = 	snop  }
0x3b: {  	_ = 	snop  }
0x3c: {  	p2 =	seq.s32 s10, $0x1;
	s10 =	sld [smem:$0x3FB1]  }
0x3d: {  	_ =	shalt  }
0x3e: {  	_ =	shalt  }
0x3f: {  	_ =	shalt  }
0x40: {  	_ =	shalt  }
0x41: {  	_ =	shalt  }
0x42: {  	_ =	shalt  }
0x43: {  	_ =	shalt  }
0x44: {  	_ =	shalt  }
0x45: {  	_ =	shalt  }
0x46: {  	_ =	shalt  }
0x47: {  	_ =	shalt  }
0x48: {  	_ =	shalt  }
0x49: {  	_ =	shalt  }
0x4a: {  	_ =	shalt  }
0x4b: {  	_ =	shalt  }
0x4c: {  	_ =	shalt  }
0x4d: {  	_ =	shalt  }
0x4e: {  	_ =	shalt  }
0x4f: {  	_ =	shalt  }
0x50: {  	_ =	shalt  }
0x51: {  	_ =	shalt  }
0x52: {  	_ =	shalt  }
0x53: {  	_ =	shalt  }
0x54: {  	_ =	shalt  }
0x55: {  	_ =	shalt  }
0x56: {  	_ =	shalt  }
0x57: {  	_ =	shalt  }
0x58: {  	_ =	shalt  }
0x59: {  	_ =	shalt  }
0x5a: {  	_ =	shalt  }
0x5b: {  	_ =	shalt  }
0x5c: {  	_ =	shalt  }
0x5d: {  	_ =	shalt  }
0x5e: {  	_ =	shalt  }
0x5f: {  	_ =	shalt  }
0x60: {  	_ =	shalt  }
0x61: {  	_ =	shalt  }
0x62: {  	_ =	shalt  }
0x63: {  	_ =	shalt  }
0x64: {  	_ =	shalt  }
0x65: {  	_ =	shalt  }
0x66: {  	_ =	shalt  }
0x67: {  	_ =	shalt  }
0x68: {  	_ =	shalt  }
0x69: {  	_ =	shalt  }
0x6a: {  	_ =	shalt  }
0x6b: {  	_ =	shalt  }
0x6c: {  	_ =	shalt  }
0x6d: {  	_ =	shalt  }
0x6e: {  	_ =	shalt  }
0x6f: {  	_ =	shalt  }
0x70: {  	_ =	shalt  }
0x71: {  	_ =	shalt  }
0x72: {  	_ =	shalt  }
0x73: {  	_ =	shalt  }
0x74: {  	_ =	shalt  }
0x75: {  	_ =	shalt  }
0x76: {  	_ =	shalt  }
0x77: {  	_ =	shalt  }
0x78: {  	_ =	shalt  }
0x79: {  	_ =	shalt  }
0x7a: {  	_ =	shalt  }
0x7b: {  	_ =	shalt  }
0x7c: {  	_ =	shalt  }
0x7d: {  	_ =	shalt  }
0x7e: {  	_ =	shalt  }
0x7f: {  	_ =	shalt  }
0x80: {  	_ =	shalt  }
0x81: {  	_ =	shalt  }
0x82: {  	_ =	shalt  }
0x83: {  	_ =	shalt  }
0x84: {  	_ =	shalt  }
0x85: {  	_ =	shalt  }
0x86: {  	_ =	shalt  }
0x87: {  	_ =	shalt  }
.Lfunc_end0:
.L_simem_size_0:
called_computation.1_lowered:
.L_overlay_start_0:
0x88: {  	s2 =	sld [smem:$0x3FD9]  }
0x89: {  	s3 =	sld [smem:$0x3FFE];
	_ =	sdelay $0x1  }
0x8a: {  	s1 =	srdreg.scid  }
0x8b: {  	s0 =	sand.u32 $0x1, s1  }
0x8c: {  	s14 =	sshll.u32 s0, $0xA;
	s2 =	sadd.s32 s3, s2  }
0x8d: {  	s2 =	sadd.s32 s2, s14  }
0x8e: {  	[smem:$0x3FBD] =	sst s2  }
0x8f: {  	_ = 	snop  }
0x90: {  	s2 =	sld [smem:$0x3FD0];
	_ =	sdelay $0x2  }
0x91: {  	s15 =	simm.s32 $0xA;
	s4 =	simm.s32 $0x10  }
0x92: {  	[smem:s4], [sflag:s15] =	dma.local [hbm:s2], $0x1  }
0x93: {  	_ =	swait.eq [sflag:s15], $0x1  }
0x94: {  	[sflag:s15] =	ssyncset.done $0x0  }
0x95: {  	[sflag:s15] =	ssyncadd.s32 $0xFFFFFFFF  }
0x96: {  	s16 =	sld [smem:$0x10];
	(tm) =	ssettm $0x1  }
0x97: {  	s17 =	sld [smem:$0x3FFB];
	_ =	sdelay $0x3  }
0x98: {  	_ =	strace s17  }
0x99: {  	s3 =	sld [smem:$0x3FFC];
	_ =	sdelay $0x3  }
0x9a: {  	_ =	strace s3  }
0x9b: {  	s3 =	sld [smem:$0x3FFD];
	_ =	sdelay $0x3  }
0x9c: {  	_ =	strace s3  }
0x9d: {  	_ =	strace $0x8FFFFFFF  }
0x9e: {  	s18 =	sld [smem:$0x3FDB];
	_ =	sdelay $0x1  }
0x9f: {  	s19 =	simm.s32 $_scs_section_size  }
0xa0: {  	s5 =	simm.s32 $_size__tile_overlayer_lowered;
	s6 =	simm.s32 $_tile_overlayer_lowered  }
0xa1: {  	s22 =	simm.s32 $0x1BFF;
	s21 =	sshll.u32 s6, $0x1;
	s3 =	sadd.s32 s19, s18  }
0xa2: {  	s7 =	simm.s32 $0x0;
	s20 =	sshll.u32 s5, $0x1;
	s5 =	sadd.s32 s21, s3  }
0xa3: {  	[timem:s7], [sflag:s22] =	dma.local [hbm:s5], s20  }
0xa4: {  	_ =	swait.ge [sflag:s22], s20  }
0xa5: {  	s4 =	ssub.s32 $0x0, s20;
	[sflag:s22] =	ssyncset.done $0x0  }
0xa6: {  	[sflag:s22] =	ssyncadd.s32 s4;
	_ =	sdelay $0x1  }
0xa7: {  	s23 =	simm.s32 $0x1B8B  }
0xa8: {  	_ =	swait.ge [sflag:s23], $0x1  }
0xa9: {  	[sflag:s23] =	ssyncset.done $0x0  }
0xaa: {  	s25 =	simm.s32 $0x1B8E;
	s24 =	sld [smem:$0x3FFE];
	[sflag:s23] =	ssyncadd.s32 $0xFFFFFFFF  }
0xab: {  	s26 =	simm.s32 $execute0_lowered;
	[smem:$0x3FD2] =	sst s25  }
0xac: {  	s5 =	sshll.u32 s26, $0x1;
	_ =	strace $0x80000049;
	[dreg:$0x1] =	wrdreg $0xFFFFFFFF  }
0xad: {  	s28 =	simm.s32 $_size_execute0_lowered;
	s3 =	sadd.s32 s3, s5;
	[dreg:$0x0] =	wrdreg $0x0  }
0xae: {  	s5 =	sshll.u32 s28, $0x1;
	[dreg:$0x2] =	wrdreg s3  }
0xaf: {  	[dreg:$0x3] =	wrdreg s5  }
0xb0: {  	[dreg:$0x4] =	wrdreg $0xC0  }
0xb1: {  	_ =	task [dreg:s7], $0x5FFFF  }
0xb2: {  	[dreg:$0x1] =	wrdreg $0xFFFFFFFF  }
0xb3: {  	[dreg:$0x0] =	wrdreg $0x60  }
0xb4: {  	[dreg:$0x2] =	wrdreg s24  }
0xb5: {  	[dreg:$0x3] =	wrdreg s16  }
0xb6: {  	[dreg:$0x4] =	wrdreg $0x9  }
0xb7: {  	_ =	task.clear_ibuf [dreg:s7], $0x5FFFF;
	_ =	strace $0x90000049  }
0xb8: {  	s29 =	simm.s32 $0x9;
	_ =	strace $0x8000004B  }
0xb9: {  	_ =	swait.ge [sflag:s29], $0x1  }
0xba: {  	[sflag:s29] =	ssyncadd.s32 $0xFFFFFFFF  }
0xbb: {  	_ =	strace $0x9000004B  }
0xbc: {  	_ =	sfence  }
0xbd: {  	s30 =	sld [smem:$0x0];
	_ =	sdelay $0x2  }
0xbe: {  	s31 =	sshll.u32 s1, $0xD;
	s1 =	sshrl.u32 s1, $0x2  }
0xbf: {  	s3 =	sand.u32 $0x4000, s31;
	s1 =	sadd.s32 s1, s30  }
0xc0: {  	s0 =	sor.u32 s3, s0;
	s1 =	sshll.u32 s1, $0x11  }
0xc1: {  	s0 =	sor.u32 s1, s0  }
0xc2: {  	s0 =	sadd.s32 $0x8F2B, s0  }
0xc3: {  	[sflag:s0] =	ssyncadd.remote.s32 $0x1  }
0xc4: {  	_ =	sfence.sel $0xFFFF  }
0xc5: {  	[dreg:$0x0] =	wrdreg $0xFFFFFFFF;
	(pc) =	sbr.abs _section_cstart, $3  }
0xc6: {  	[dreg:$0x1] =	wrdreg $0xFFFFFFFF  }
0xc7: {  	_ =	task.clear_ibuf [dreg:s7], $0x2FFFF;
	_ =	strace $0x9FFFFFFF  }
0xc8: {  	(tm) =	ssettm $0x7FFFFFFF  }
0xc9: {  	_ =	shalt  }
tec
execute0_lowered:
.L_overlay_start_1:
0x0: {  	(tag) =	ssettag $0x1  }
0x1: {  	s1 =	srdreg.scid;
	s4 =	rddreg [dreg:$0x0]  }
0x2: {  	s0 =	stileid.u32;
	s5 =	rddreg [dreg:$0x1];
	s16 =	simm.s32 $0x80  }
0x3: {  	s17 =	simm.s32 $0x900;
	s18 =	simm.s32 $0x1100;
	s19 =	simm.s32 $0x1900  }
0x4: {  	s20 =	simm.s32 $0x2100;
	s21 =	simm.s32 $0x2900;
	s1 =	sand.u32 $0x1, s1  }
0x5: {  	s23 =	simm.s32 $0x3100;
	s2 =	sshll.u32 s0, $0x7;
	s3 =	sshll.u32 s1, $0x6  }
0x6: {  	s24 =	simm.s32 $0x3900;
	s3 =	sor.u32 s3, s2;
	s2 =	simm.s32 $0x0  }
0x7: {  	s25 =	simm.s32 $0x4100;
	s26 =	simm.s32 $0x4900;
	[smem:$0x7FF] =	sst s2  }
0x8: {  	s9 =	simm.s32 $0x5900;
	_ =	strace $0x8000004A;
	[dreg:$0x7] =	wrdreg s16  }
0x9: {  	s10 =	simm.s32 $0x6100;
	s11 =	simm.s32 $0x6900;
	[dreg:$0x8] =	wrdreg s17  }
0xa: {  	s12 =	simm.s32 $0x7100;
	s13 =	simm.s32 $0x7900;
	[dreg:$0x9] =	wrdreg s18  }
0xb: {  	s28 =	simm.s32 $0xE900;
	s29 =	simm.s32 $0xF100;
	[dreg:$0xa] =	wrdreg s19  }
0xc: {  	s30 =	simm.s32 $0xF900;
	s1 =	ssub.s32 $0x2, s1;
	[dreg:$0xb] =	wrdreg s20  }
0xd: {  	s31 =	simm.s32 $0x1;
	s22 =	sshrl.u32 s1, $0x1;
	[dreg:$0xc] =	wrdreg s21  }
0xe: {  	s6 =	sshrl.u32 s3, $0x3;
	s3 =	sshll.u32 s3, $0x6;
	[dreg:$0xd] =	wrdreg s23  }
0xf: {  	s1 =	ssub.s32 s1, s22;
	s22 =	simm.s32 $0xC100;
	[dreg:$0xe] =	wrdreg s24  }
0x10: {  	s6 =	sadd.s32 s6, s4;
	s14 =	sadd.s32 s3, s4;
	[dreg:$0xf] =	wrdreg s25  }
0x11: {  	s3 =	sadd.s32 s5, s3;
	s5 =	smax.u32 s1, $0x1;
	[dreg:$0x10] =	wrdreg s26  }
0x12: {  	s16 =	simm.s32 $0x9100;
	s17 =	simm.s32 $0x9900;
	s18 =	simm.s32 $0xA100  }
0x13: {  	s19 =	simm.s32 $0xA900;
	s20 =	simm.s32 $0xB100;
	s21 =	simm.s32 $0xB900  }
0x14: {  	s23 =	simm.s32 $0xC900;
	s24 =	simm.s32 $0xD100;
	s25 =	simm.s32 $0xD900  }
0x15: {  	s26 =	simm.s32 $0xE100;
	s7 =	sadd.s32 $0x1600, s6;
	[dreg:$0x5] =	wrdreg s3  }
0x16: {  	s1 =	simm.s32 $0x2;
	s6 =	sadd.s32 $0x1800, s6;
	[dreg:$0x3] =	wrdreg s7  }
0x17: {  	v2 =	vlaneseq.u32;
	s15 =	sadd.s32 $0x81A00, s14;
	s3 =	sadd.s32 $0x1A00, s4;
	[dreg:$0x4] =	wrdreg s6  }
0x18: {  	vm0 =	vmmov $0xffff;
	v1 =	vshrl.u32 v2, $0x3;
	s4 =	sadd.s32 $0x1B00, s4;
	s14 =	simm.s32 $0x8100;
	[dreg:$0x6] =	wrdreg s15  }
0x19: {  	v0 =	vand.u32 $0x7, v2;
	v2 =	vor.u32 $0x8, v2;
	v1 =	vmul.u32 $0x8, v1;
	s6 =	simm.s32 $0x3;
	s7 =	simm.s32 $0x100;
	s15 =	simm.s32 $0x8900  }
.LBB2_1:
0x1a: {  	s0 =	rddreg [dreg:$0x3]  }
0x1b: {  	[tilespmem:s2], [sflag:$0x3] =	stream.linear.gather [hbm4b:s0+s2], $0x40, $0x38;
	[tilespmem:$0x10100] =	vst v63  }
0x1c: {  	_ =	swait.ge [sflag:s6], $0x40  }
0x1d: {  	s0 =	rddreg [dreg:$0x4];
	[sflag:s6] =	ssyncset.done $0x0  }
0x1e: {  	s8 =	rddreg [dreg:$0x7];
	[sflag:s6] =	ssyncadd.s32 $0xFFFFFFC0  }
0x1f: {  	[tilespmem:s8], [sflag:$0x3] =	stream.linear.gather [hbm4b:s0+s2], $0x40, $0x38;
	[tilespmem:$0x10100] =	vst v63  }
0x20: {  	_ =	swait.ge [sflag:s6], $0x40  }
0x21: {  	[sflag:s6] =	ssyncset.done $0x0  }
0x22: {  	[sflag:s6] =	ssyncadd.s32 $0xFFFFFFC0  }
0x23: {  	v3 =	vld [tilespmem:$0x0];
	_ =	sdelay $0x4  }
0x24: {  	v4 =	vshll.u32 v3, $0x2  }
0x25: {  	v3 =	vand.u32 $0x7, v3;
	v4 =	vand.u32 $0xFFFFFFE0, v4  }
0x26: {  	v3 =	vor.u32 v3, v4  }
0x27: {  	v4 =	vperm.xlane v3, v0;
	_ =	sdelay $0x1  }
0x28: {  	v4 =	vadd.s32 v1, v4;
	_ =	sdelay $0x1  }
0x29: {  	v3 =	vperm.xlane v3, v2;
	_ =	sdelay $0x1  }
0x2a: {  	v3 =	vadd.s32 v1, v3  }
0x2b: {  	[tilespmem:s7], [sflag:$0x1] =	stream.indirect_vreg.gather [hbm4b:s3+s2], $0x80, v4, vm0, $0xb8;
	[tilespmem:$0x10100] =	vst v63  }
0x2c: {  	s0 =	rddreg [dreg:$0x8]  }
0x2d: {  	[tilespmem:s0], [sflag:$0x1] =	stream.indirect_vreg.gather [hbm4b:s4+s2], $0x80, v4, vm0, $0xb8;
	[tilespmem:$0x10100] =	vst v63  }
0x2e: {  	s8 =	rddreg [dreg:$0x9]  }
0x2f: {  	[tilespmem:s8], [sflag:$0x1] =	stream.indirect_vreg.gather [hbm4b:s3+s2], $0x80, v3, vm0, $0xb8;
	[tilespmem:$0x10100] =	vst v63  }
0x30: {  	s0 =	rddreg [dreg:$0xa]  }
0x31: {  	[tilespmem:s0], [sflag:$0x1] =	stream.indirect_vreg.gather [hbm4b:s4+s2], $0x80, v3, vm0, $0xb8;
	[tilespmem:$0x10100] =	vst v63  }
0x32: {  	v3 =	vld [tilespmem:$0x10];
	_ =	sdelay $0x4  }
0x33: {  	v57 =	vshll.u32 v3, $0x2  }
0x34: {  	v3 =	vand.u32 $0x7, v3;
	v4 =	vand.u32 $0xFFFFFFE0, v57  }
0x35: {  	v3 =	vor.u32 v3, v4  }
0x36: {  	v4 =	vperm.xlane v3, v0;
	_ =	sdelay $0x1  }
0x37: {  	v4 =	vadd.s32 v1, v4;
	_ =	sdelay $0x1  }
0x38: {  	v3 =	vperm.xlane v3, v2;
	_ =	sdelay $0x1  }
0x39: {  	s0 =	rddreg [dreg:$0xb];
	v3 =	vadd.s32 v1, v3  }
0x3a: {  	[tilespmem:s0], [sflag:$0x1] =	stream.indirect_vreg.gather [hbm4b:s3+s2], $0x80, v4, vm0, $0xb8;
	[tilespmem:$0x10100] =	vst v63  }
0x3b: {  	s8 =	rddreg [dreg:$0xc]  }
0x3c: {  	[tilespmem:s8], [sflag:$0x1] =	stream.indirect_vreg.gather [hbm4b:s4+s2], $0x80, v4, vm0, $0xb8;
	[tilespmem:$0x10100] =	vst v63  }
0x3d: {  	s0 =	rddreg [dreg:$0xd]  }
0x3e: {  	[tilespmem:s0], [sflag:$0x1] =	stream.indirect_vreg.gather [hbm4b:s3+s2], $0x80, v3, vm0, $0xb8;
	[tilespmem:$0x10100] =	vst v63  }
0x3f: {  	s8 =	rddreg [dreg:$0xe]  }
0x40: {  	[tilespmem:s8], [sflag:$0x1] =	stream.indirect_vreg.gather [hbm4b:s4+s2], $0x80, v3, vm0, $0xb8;
	[tilespmem:$0x10100] =	vst v63  }
0x41: {  	v3 =	vld [tilespmem:$0x20];
	_ =	sdelay $0x4  }
0x42: {  	v58 =	vshll.u32 v3, $0x2  }
0x43: {  	v3 =	vand.u32 $0x7, v3;
	v4 =	vand.u32 $0xFFFFFFE0, v58  }
0x44: {  	v3 =	vor.u32 v3, v4  }
0x45: {  	v4 =	vperm.xlane v3, v0;
	_ =	sdelay $0x1  }
0x46: {  	v4 =	vadd.s32 v1, v4;
	_ =	sdelay $0x1  }
0x47: {  	v3 =	vperm.xlane v3, v2;
	_ =	sdelay $0x1  }
0x48: {  	s0 =	rddreg [dreg:$0xf];
	v3 =	vadd.s32 v1, v3  }
0x49: {  	[tilespmem:s0], [sflag:$0x1] =	stream.indirect_vreg.gather [hbm4b:s3+s2], $0x80, v4, vm0, $0xb8;
	[tilespmem:$0x10100] =	vst v63  }
0x4a: {  	s8 =	rddreg [dreg:$0x10]  }
0x4b: {  	[tilespmem:s8], [sflag:$0x1] =	stream.indirect_vreg.gather [hbm4b:s4+s2], $0x80, v4, vm0, $0xb8;
	[tilespmem:$0x10100] =	vst v63  }
0x4c: {  	s8 =	simm.s32 $0x5100  }
0x4d: {  	[tilespmem:s8], [sflag:$0x1] =	stream.indirect_vreg.gather [hbm4b:s3+s2], $0x80, v3, vm0, $0xb8;
	[tilespmem:$0x10100] =	vst v63  }
0x4e: {  	_ = 	snop  }
0x4f: {  	[tilespmem:s9], [sflag:$0x1] =	stream.indirect_vreg.gather [hbm4b:s4+s2], $0x80, v3, vm0, $0xb8;
	[tilespmem:$0x10100] =	vst v63  }
0x50: {  	v3 =	vld [tilespmem:$0x30];
	_ =	sdelay $0x4  }
0x51: {  	v59 =	vshll.u32 v3, $0x2  }
0x52: {  	v3 =	vand.u32 $0x7, v3;
	v4 =	vand.u32 $0xFFFFFFE0, v59  }
0x53: {  	v3 =	vor.u32 v3, v4  }
0x54: {  	v4 =	vperm.xlane v3, v0;
	_ =	sdelay $0x1  }
0x55: {  	v4 =	vadd.s32 v1, v4;
	_ =	sdelay $0x1  }
0x56: {  	v3 =	vperm.xlane v3, v2;
	_ =	sdelay $0x1  }
0x57: {  	v3 =	vadd.s32 v1, v3  }
0x58: {  	[tilespmem:s10], [sflag:$0x1] =	stream.indirect_vreg.gather [hbm4b:s3+s2], $0x80, v4, vm0, $0xb8;
	[tilespmem:$0x10100] =	vst v63  }
0x59: {  	_ = 	snop  }
0x5a: {  	[tilespmem:s11], [sflag:$0x1] =	stream.indirect_vreg.gather [hbm4b:s4+s2], $0x80, v4, vm0, $0xb8;
	[tilespmem:$0x10100] =	vst v63  }
0x5b: {  	_ = 	snop  }
0x5c: {  	[tilespmem:s12], [sflag:$0x1] =	stream.indirect_vreg.gather [hbm4b:s3+s2], $0x80, v3, vm0, $0xb8;
	[tilespmem:$0x10100] =	vst v63  }
0x5d: {  	_ = 	snop  }
0x5e: {  	[tilespmem:s13], [sflag:$0x1] =	stream.indirect_vreg.gather [hbm4b:s4+s2], $0x80, v3, vm0, $0xb8;
	[tilespmem:$0x10100] =	vst v63  }
0x5f: {  	v3 =	vld [tilespmem:$0x80];
	_ =	sdelay $0x4  }
0x60: {  	v60 =	vshll.u32 v3, $0x2  }
0x61: {  	v3 =	vand.u32 $0x7, v3;
	v4 =	vand.u32 $0xFFFFFFE0, v60  }
0x62: {  	v3 =	vor.u32 v3, v4  }
0x63: {  	v4 =	vperm.xlane v3, v0;
	_ =	sdelay $0x1  }
0x64: {  	v4 =	vadd.s32 v1, v4;
	_ =	sdelay $0x1  }
0x65: {  	v3 =	vperm.xlane v3, v2;
	_ =	sdelay $0x1  }
0x66: {  	v3 =	vadd.s32 v1, v3  }
0x67: {  	[tilespmem:s14], [sflag:$0x2] =	stream.indirect_vreg.gather [hbm4b:s3+s2], $0x80, v4, vm0, $0xb8;
	[tilespmem:$0x10100] =	vst v63  }
0x68: {  	_ = 	snop  }
0x69: {  	[tilespmem:s15], [sflag:$0x2] =	stream.indirect_vreg.gather [hbm4b:s4+s2], $0x80, v4, vm0, $0xb8;
	[tilespmem:$0x10100] =	vst v63  }
0x6a: {  	_ = 	snop  }
0x6b: {  	[tilespmem:s16], [sflag:$0x2] =	stream.indirect_vreg.gather [hbm4b:s3+s2], $0x80, v3, vm0, $0xb8;
	[tilespmem:$0x10100] =	vst v63  }
0x6c: {  	_ = 	snop  }
0x6d: {  	[tilespmem:s17], [sflag:$0x2] =	stream.indirect_vreg.gather [hbm4b:s4+s2], $0x80, v3, vm0, $0xb8;
	[tilespmem:$0x10100] =	vst v63  }
0x6e: {  	v3 =	vld [tilespmem:$0x90];
	_ =	sdelay $0x4  }
0x6f: {  	v61 =	vshll.u32 v3, $0x2  }
0x70: {  	v3 =	vand.u32 $0x7, v3;
	v4 =	vand.u32 $0xFFFFFFE0, v61  }
0x71: {  	v3 =	vor.u32 v3, v4  }
0x72: {  	v4 =	vperm.xlane v3, v0;
	_ =	sdelay $0x1  }
0x73: {  	v4 =	vadd.s32 v1, v4;
	_ =	sdelay $0x1  }
0x74: {  	v3 =	vperm.xlane v3, v2;
	_ =	sdelay $0x1  }
0x75: {  	v3 =	vadd.s32 v1, v3  }
0x76: {  	[tilespmem:s18], [sflag:$0x2] =	stream.indirect_vreg.gather [hbm4b:s3+s2], $0x80, v4, vm0, $0xb8;
	[tilespmem:$0x10100] =	vst v63  }
0x77: {  	_ = 	snop  }
0x78: {  	[tilespmem:s19], [sflag:$0x2] =	stream.indirect_vreg.gather [hbm4b:s4+s2], $0x80, v4, vm0, $0xb8;
	[tilespmem:$0x10100] =	vst v63  }
0x79: {  	_ = 	snop  }
0x7a: {  	[tilespmem:s20], [sflag:$0x2] =	stream.indirect_vreg.gather [hbm4b:s3+s2], $0x80, v3, vm0, $0xb8;
	[tilespmem:$0x10100] =	vst v63  }
0x7b: {  	_ = 	snop  }
0x7c: {  	[tilespmem:s21], [sflag:$0x2] =	stream.indirect_vreg.gather [hbm4b:s4+s2], $0x80, v3, vm0, $0xb8;
	[tilespmem:$0x10100] =	vst v63  }
0x7d: {  	v3 =	vld [tilespmem:$0xA0];
	_ =	sdelay $0x4  }
0x7e: {  	v62 =	vshll.u32 v3, $0x2  }
0x7f: {  	v3 =	vand.u32 $0x7, v3;
	v4 =	vand.u32 $0xFFFFFFE0, v62  }
0x80: {  	v3 =	vor.u32 v3, v4  }
0x81: {  	v4 =	vperm.xlane v3, v0;
	_ =	sdelay $0x1  }
0x82: {  	v4 =	vadd.s32 v1, v4;
	_ =	sdelay $0x1  }
0x83: {  	v3 =	vperm.xlane v3, v2;
	_ =	sdelay $0x1  }
0x84: {  	v3 =	vadd.s32 v1, v3  }
0x85: {  	[tilespmem:s22], [sflag:$0x2] =	stream.indirect_vreg.gather [hbm4b:s3+s2], $0x80, v4, vm0, $0xb8;
	[tilespmem:$0x10100] =	vst v63  }
0x86: {  	_ = 	snop  }
0x87: {  	[tilespmem:s23], [sflag:$0x2] =	stream.indirect_vreg.gather [hbm4b:s4+s2], $0x80, v4, vm0, $0xb8;
	[tilespmem:$0x10100] =	vst v63  }
0x88: {  	_ = 	snop  }
0x89: {  	[tilespmem:s24], [sflag:$0x2] =	stream.indirect_vreg.gather [hbm4b:s3+s2], $0x80, v3, vm0, $0xb8;
	[tilespmem:$0x10100] =	vst v63  }
0x8a: {  	_ = 	snop  }
0x8b: {  	[tilespmem:s25], [sflag:$0x2] =	stream.indirect_vreg.gather [hbm4b:s4+s2], $0x80, v3, vm0, $0xb8;
	[tilespmem:$0x10100] =	vst v63  }
0x8c: {  	v3 =	vld [tilespmem:$0xB0];
	_ =	sdelay $0x4  }
0x8d: {  	v63 =	vshll.u32 v3, $0x2  }
0x8e: {  	v3 =	vand.u32 $0x7, v3;
	v4 =	vand.u32 $0xFFFFFFE0, v63  }
0x8f: {  	v3 =	vor.u32 v3, v4  }
0x90: {  	v4 =	vperm.xlane v3, v0;
	_ =	sdelay $0x1  }
0x91: {  	v4 =	vadd.s32 v1, v4;
	_ =	sdelay $0x1  }
0x92: {  	v3 =	vperm.xlane v3, v2;
	_ =	sdelay $0x1  }
0x93: {  	v3 =	vadd.s32 v1, v3  }
0x94: {  	[tilespmem:s26], [sflag:$0x2] =	stream.indirect_vreg.gather [hbm4b:s3+s2], $0x80, v4, vm0, $0xb8;
	[tilespmem:$0x10100] =	vst v63  }
0x95: {  	_ = 	snop  }
0x96: {  	[tilespmem:s28], [sflag:$0x2] =	stream.indirect_vreg.gather [hbm4b:s4+s2], $0x80, v4, vm0, $0xb8;
	[tilespmem:$0x10100] =	vst v63  }
0x97: {  	_ = 	snop  }
0x98: {  	[tilespmem:s29], [sflag:$0x2] =	stream.indirect_vreg.gather [hbm4b:s3+s2], $0x80, v3, vm0, $0xb8;
	[tilespmem:$0x10100] =	vst v63  }
0x99: {  	_ = 	snop  }
0x9a: {  	[tilespmem:s30], [sflag:$0x2] =	stream.indirect_vreg.gather [hbm4b:s4+s2], $0x80, v3, vm0, $0xb8;
	[tilespmem:$0x10100] =	vst v63  }
0x9b: {  	_ =	swait.ge [sflag:s31], $0x8000  }
0x9c: {  	[sflag:s31] =	ssyncset.done $0x0  }
0x9d: {  	s8 =	rddreg [dreg:$0x5];
	[sflag:s31] =	ssyncadd.s32 $0xFFFF8000  }
0x9e: {  	[hbm4b:s8+s2] =	stream.linear.scatter [tilespmem:s7], [sflag:$0x3], $0x8000, $0x38;
	[tilespmem:$0x10100] =	vst v63  }
0x9f: {  	_ =	swait.ge [sflag:s6], $0x8000  }
0xa0: {  	[sflag:s6] =	ssyncset.done $0x0  }
0xa1: {  	[sflag:s6] =	ssyncadd.s32 $0xFFFF8000  }
0xa2: {  	_ =	swait.ge [sflag:s1], $0x8000  }
0xa3: {  	p0 =	sne.s32 s5, $0x1;
	[sflag:s1] =	ssyncset.done $0x0  }
.Ltmp0:
0xa4: {  	s8 =	rddreg [dreg:$0x6];
	[sflag:s1] =	ssyncadd.s32 $0xFFFF8000;
	(pc) =	sbr.rel @p0 .LBB2_1-.Ltmp0, $4  }
0xa5: {  	[hbm4b:s8+s2] =	stream.linear.scatter [tilespmem:s14], [sflag:$0x3], $0x8000, $0x38;
	[tilespmem:$0x10100] =	vst v63  }
0xa6: {  	_ =	swait.ge [sflag:s6], $0x8000  }
0xa7: {  	[sflag:s6] =	ssyncset.done $0x0  }
0xa8: {  	s5 =	sadd.s32 $0xFFFFFFFF, s5;
	[sflag:s6] =	ssyncadd.s32 $0xFFFF8000  }
0xa9: {  	_ =	sfence.sel $0x180000  }
0xaa: {  	[bflag:$0x0] =	sbarrier.arrive $0xFFFF  }
0xab: {  	_ =	strace $0x9000004A  }
0xac: {  	s0 =	stileid.u32;
	[bflag:$0x2] =	sbarrier.arrive $0xFFFF  }
0xad: {  	p0 =	sne.s32 s0, $0x0;
	s0 =	rddreg [dreg:$0x2]  }
0xae: {  	s0 =	sadd.s32 @!p0 $0x100000, s0  }
0xaf: {  	[sflag:s0] =	ssyncadd.tile.s32 @!p0 $0x1;
	_ =	shalt  }
.Lfunc_end2:
_tile_overlayer_lowered:
.L_overlay_start_2:
0xb0: {  	(tag) =	ssettag $0x2  }
0xb1: {  	s0 =	rddreg [dreg:$0x0];
	s2 =	stileid.u32  }
0xb2: {  	s1 =	rddreg [dreg:$0x1];
	p0 =	sne.s32 s2, $0x0  }
0xb3: {  	s3 =	rddreg [dreg:$0x2];
	[bflag:$0x3] =	sbarrier.arrive $0xFFFF;
	s2 =	simm.s32 @!p0 $0x1C03  }
0xb4: {  	[timem:s3], [sflag:s2] =	dma.local @!p0 [hbm:s0], s1  }
0xb5: {  	s0 =	simm.s32 @!p0 $0x3  }
0xb6: {  	_ =	swait.ge @!p0 [sflag:s0], s1  }
0xb7: {  	s1 =	ssub.s32 @!p0 $0x0, s1;
	[sflag:s0] =	ssyncset.done @!p0 $0x0  }
0xb8: {  	[sflag:s0] =	ssyncadd.s32 @!p0 s1  }
0xb9: {  	[bflag:$0x3] =	sbarrier.arrive $0xFFFF  }
0xba: {  	_ =	shalt  }

// kernel: kernel.8.cloned.1.call-start
scs
__scs_entry_jumppad:
0x0: {  	(pc) =	sbr.rel $0x88, $3  }
0x1: {  	(tag) =	ssettag $0x0;
	lr =	simm.s32 $0x1  }
0x2: {  	[smem:$0x3F96] =	sst lr;
	_ =	strace $0xD0000000  }
0x3: {  	_ = 	snop  }
0x4: {  	_ = 	snop  }
0x5: {  	_ = 	snop  }
0x6: {  	_ = 	snop  }
0x7: {  	_ = 	snop  }
__scs_overlays_trampoline_lowered:
0x8: {  	[smem:$0x3FA5] =	sst s0  }
0x9: {  	[smem:$0x3FA6] =	sst s1  }
0xa: {  	[smem:$0x3FA7] =	sst s2  }
0xb: {  	[smem:$0x3FA8] =	sst s3  }
0xc: {  	[smem:$0x3FA9] =	sst s4  }
0xd: {  	[smem:$0x3FAA] =	sst s5  }
0xe: {  	[smem:$0x3FAB] =	sst s6  }
0xf: {  	[smem:$0x3FAC] =	sst s7  }
0x10: {  	[smem:$0x3FAD] =	sst s8  }
0x11: {  	[smem:$0x3FAE] =	sst s9;
	s0 =	simm.s32 @!p0 $0x0  }
0x12: {  	s1 =	sld [smem:$0x3F94];
	s0 =	simm.s32 @p0 $0x1  }
0x13: {  	[smem:$0x3FAF] =	sst s0;
	s0 =	simm.s32 @!p1 $0x0  }
0x14: {  	s2 =	sld [smem:$0x3F93];
	s0 =	simm.s32 @p1 $0x1  }
0x15: {  	[smem:$0x3FB0] =	sst s0;
	s0 =	simm.s32 @!p2 $0x0  }
0x16: {  	s3 =	sld [smem:$0x3FDB];
	s0 =	simm.s32 @p2 $0x1  }
0x17: {  	s4 =	simm.s32 $0x1BF5;
	[smem:$0x3FB2] =	sst s0  }
0x18: {  	s0 =	sld [smem:$0x3F95];
	_ =	swait.ge [sflag:s4], $0x0  }
0x19: {  	s7 =	sld [smem:$0x3F96]  }
0x1a: {  	s8 =	sadd.s32 $0xFFFFE003, lr  }
0x1b: {  	s9 =	sadd.s32 $0xFFFFFEF7, lr;
	s5 =	simm.s32 $0xFFFFFFFF;
	p2 =	slt.u32 s8, $0xFFFFF086  }
0x1c: {  	p1 =	slt.u32 s9, $0xF7A;
	s5 =	simm.s32 @!p2 $0x0  }
0x1d: {  	s5 =	simm.s32 @p1 $0x1;
	p0 =	seq.s32 s7, s2  }
0x1e: {  	s7 =	smul.u32 @!p0 $0xF7A, s2;
	p2 =	seq.s32 @!p0 s5, $0x0  }
0x1f: {  	s9 =	smul.u32 $0xF7A, s1;
	s8 =	simm.s32 @!p0 $0x1BF5;
	p2 =	por !p2, p0  }
0x20: {  	[sflag:s8] =	ssyncset.s32 @!p0 $0xFFFFF086;
	s6 =	sadd.s32 @!p0 s3, s7;
	s7 =	simm.s32 @!p0 $0x108  }
0x21: {  	s3 =	sadd.s32 s3, s9;
	s6 =	sadd.s32 @!p0 $0x88, s6;
	s7 =	simm.s32 @p2 $0x1082  }
0x22: {  	[simem:s7], [sflag:s8] =	dma.local @!p0 [hbm:s6], $0xF7A  }
0x23: {  	s9 =	sor.u32 $0xD0000000, s2;
	s6 =	simm.s32 $0x108;
	_ =	swait.ge @!p0 [sflag:s8], $0x0  }
0x24: {  	s3 =	sadd.s32 $0x88, s3;
	s6 =	simm.s32 @!p1 $0x1082;
	[sflag:s4] =	ssyncset.s32 $0xFFFFF086  }
0x25: {  	[simem:s6], [sflag:s4] =	dma.local [hbm:s3], $0xF7A  }
0x26: {  	[smem:$0x3F96] =	sst s1;
	(tag) =	ssettag s2;
	_ =	strace s9  }
0x27: {  	s1 =	sld [smem:$0x3FA6]  }
0x28: {  	s2 =	sld [smem:$0x3FA7]  }
0x29: {  	s4 =	sld [smem:$0x3FA9]  }
0x2a: {  	p0 =	seq.s32 s5, $0x0;
	s5 =	sld [smem:$0x3FAA]  }
0x2b: {  	s6 =	sld [smem:$0x3FAB]  }
0x2c: {  	s7 =	sld [smem:$0x3FAC]  }
0x2d: {  	s3 =	simm.s32 $0x108;
	s8 =	sld [smem:$0x3FAD]  }
0x2e: {  	s3 =	simm.s32 @!p0 $0x1082;
	s9 =	sld [smem:$0x3FAE]  }
0x2f: {  	lr =	sadd.s32 s0, s3;
	s0 =	sld [smem:$0x3FA5]  }
0x30: {  	s3 =	sld [smem:$0x3FA8]  }
0x31: {  	[smem:$0x3FB1] =	sst s10  }
0x32: {  	s10 =	sld [smem:$0x3FAF];
	_ =	sdelay $0x3  }
0x33: {  	p0 =	seq.s32 s10, $0x1;
	s10 =	sld [smem:$0x3FB1];
	_ =	sdelay $0x3  }
0x34: {  	[smem:$0x3FB1] =	sst s10  }
0x35: {  	s10 =	sld [smem:$0x3FB0];
	_ =	sdelay $0x3  }
0x36: {  	p1 =	seq.s32 s10, $0x1;
	s10 =	sld [smem:$0x3FB1];
	_ =	sdelay $0x3  }
0x37: {  	[smem:$0x3FB1] =	sst s10  }
0x38: {  	s10 =	sld [smem:$0x3FB2]  }
0x39: {  	_ = 	snop;
	(pc) =	sbr.ind lr, $3  }
0x3a: {  	_ = 	snop  }
0x3b: {  	_ = 	snop  }
0x3c: {  	p2 =	seq.s32 s10, $0x1;
	s10 =	sld [smem:$0x3FB1]  }
0x3d: {  	_ =	shalt  }
0x3e: {  	_ =	shalt  }
0x3f: {  	_ =	shalt  }
0x40: {  	_ =	shalt  }
0x41: {  	_ =	shalt  }
0x42: {  	_ =	shalt  }
0x43: {  	_ =	shalt  }
0x44: {  	_ =	shalt  }
0x45: {  	_ =	shalt  }
0x46: {  	_ =	shalt  }
0x47: {  	_ =	shalt  }
0x48: {  	_ =	shalt  }
0x49: {  	_ =	shalt  }
0x4a: {  	_ =	shalt  }
0x4b: {  	_ =	shalt  }
0x4c: {  	_ =	shalt  }
0x4d: {  	_ =	shalt  }
0x4e: {  	_ =	shalt  }
0x4f: {  	_ =	shalt  }
0x50: {  	_ =	shalt  }
0x51: {  	_ =	shalt  }
0x52: {  	_ =	shalt  }
0x53: {  	_ =	shalt  }
0x54: {  	_ =	shalt  }
0x55: {  	_ =	shalt  }
0x56: {  	_ =	shalt  }
0x57: {  	_ =	shalt  }
0x58: {  	_ =	shalt  }
0x59: {  	_ =	shalt  }
0x5a: {  	_ =	shalt  }
0x5b: {  	_ =	shalt  }
0x5c: {  	_ =	shalt  }
0x5d: {  	_ =	shalt  }
0x5e: {  	_ =	shalt  }
0x5f: {  	_ =	shalt  }
0x60: {  	_ =	shalt  }
0x61: {  	_ =	shalt  }
0x62: {  	_ =	shalt  }
0x63: {  	_ =	shalt  }
0x64: {  	_ =	shalt  }
0x65: {  	_ =	shalt  }
0x66: {  	_ =	shalt  }
0x67: {  	_ =	shalt  }
0x68: {  	_ =	shalt  }
0x69: {  	_ =	shalt  }
0x6a: {  	_ =	shalt  }
0x6b: {  	_ =	shalt  }
0x6c: {  	_ =	shalt  }
0x6d: {  	_ =	shalt  }
0x6e: {  	_ =	shalt  }
0x6f: {  	_ =	shalt  }
0x70: {  	_ =	shalt  }
0x71: {  	_ =	shalt  }
0x72: {  	_ =	shalt  }
0x73: {  	_ =	shalt  }
0x74: {  	_ =	shalt  }
0x75: {  	_ =	shalt  }
0x76: {  	_ =	shalt  }
0x77: {  	_ =	shalt  }
0x78: {  	_ =	shalt  }
0x79: {  	_ =	shalt  }
0x7a: {  	_ =	shalt  }
0x7b: {  	_ =	shalt  }
0x7c: {  	_ =	shalt  }
0x7d: {  	_ =	shalt  }
0x7e: {  	_ =	shalt  }
0x7f: {  	_ =	shalt  }
0x80: {  	_ =	shalt  }
0x81: {  	_ =	shalt  }
0x82: {  	_ =	shalt  }
0x83: {  	_ =	shalt  }
0x84: {  	_ =	shalt  }
0x85: {  	_ =	shalt  }
0x86: {  	_ =	shalt  }
0x87: {  	_ =	shalt  }
.Lfunc_end0:
.L_simem_size_0:
called_computation_lowered:
.L_overlay_start_0:
0x88: {  	s2 =	sld [smem:$0x3FD9]  }
0x89: {  	s3 =	sld [smem:$0x3FFE];
	_ =	sdelay $0x1  }
0x8a: {  	s1 =	srdreg.scid  }
0x8b: {  	s0 =	sand.u32 $0x1, s1  }
0x8c: {  	s14 =	sshll.u32 s0, $0xA;
	s2 =	sadd.s32 s3, s2  }
0x8d: {  	s2 =	sadd.s32 s2, s14  }
0x8e: {  	[smem:$0x3FBD] =	sst s2  }
0x8f: {  	_ = 	snop  }
0x90: {  	s2 =	sld [smem:$0x3FD0];
	_ =	sdelay $0x2  }
0x91: {  	s15 =	simm.s32 $0xA;
	s4 =	simm.s32 $0x10  }
0x92: {  	[smem:s4], [sflag:s15] =	dma.local [hbm:s2], $0x1  }
0x93: {  	_ =	swait.eq [sflag:s15], $0x1  }
0x94: {  	[sflag:s15] =	ssyncset.done $0x0  }
0x95: {  	[sflag:s15] =	ssyncadd.s32 $0xFFFFFFFF  }
0x96: {  	s16 =	sld [smem:$0x10];
	(tm) =	ssettm $0x1  }
0x97: {  	s17 =	sld [smem:$0x3FFB];
	_ =	sdelay $0x3  }
0x98: {  	_ =	strace s17  }
0x99: {  	s3 =	sld [smem:$0x3FFC];
	_ =	sdelay $0x3  }
0x9a: {  	_ =	strace s3  }
0x9b: {  	s3 =	sld [smem:$0x3FFD];
	_ =	sdelay $0x3  }
0x9c: {  	_ =	strace s3  }
0x9d: {  	_ =	strace $0x8FFFFFFF  }
0x9e: {  	s18 =	sld [smem:$0x3FDB];
	_ =	sdelay $0x1  }
0x9f: {  	s19 =	simm.s32 $_scs_section_size  }
0xa0: {  	s5 =	simm.s32 $_size__tile_overlayer_lowered;
	s6 =	simm.s32 $_tile_overlayer_lowered  }
0xa1: {  	s22 =	simm.s32 $0x1BFF;
	s21 =	sshll.u32 s6, $0x1;
	s3 =	sadd.s32 s19, s18  }
0xa2: {  	s7 =	simm.s32 $0x0;
	s20 =	sshll.u32 s5, $0x1;
	s5 =	sadd.s32 s21, s3  }
0xa3: {  	[timem:s7], [sflag:s22] =	dma.local [hbm:s5], s20  }
0xa4: {  	_ =	swait.ge [sflag:s22], s20  }
0xa5: {  	s4 =	ssub.s32 $0x0, s20;
	[sflag:s22] =	ssyncset.done $0x0  }
0xa6: {  	[sflag:s22] =	ssyncadd.s32 s4;
	_ =	sdelay $0x1  }
0xa7: {  	s23 =	simm.s32 $0x1B8B  }
0xa8: {  	_ =	swait.ge [sflag:s23], $0x1  }
0xa9: {  	[sflag:s23] =	ssyncset.done $0x0  }
0xaa: {  	s25 =	simm.s32 $0x1B8E;
	s24 =	sld [smem:$0x3FFE];
	[sflag:s23] =	ssyncadd.s32 $0xFFFFFFFF  }
0xab: {  	s26 =	simm.s32 $execute0_lowered;
	[smem:$0x3FD2] =	sst s25  }
0xac: {  	s5 =	sshll.u32 s26, $0x1;
	_ =	strace $0x80000046;
	[dreg:$0x1] =	wrdreg $0xFFFFFFFF  }
0xad: {  	s28 =	simm.s32 $_size_execute0_lowered;
	s3 =	sadd.s32 s3, s5;
	[dreg:$0x0] =	wrdreg $0x0  }
0xae: {  	s5 =	sshll.u32 s28, $0x1;
	[dreg:$0x2] =	wrdreg s3  }
0xaf: {  	[dreg:$0x3] =	wrdreg s5  }
0xb0: {  	[dreg:$0x4] =	wrdreg $0xC0  }
0xb1: {  	_ =	task [dreg:s7], $0x5FFFF  }
0xb2: {  	[dreg:$0x1] =	wrdreg $0xFFFFFFFF  }
0xb3: {  	[dreg:$0x0] =	wrdreg $0x60  }
0xb4: {  	[dreg:$0x2] =	wrdreg s16  }
0xb5: {  	[dreg:$0x3] =	wrdreg s24  }
0xb6: {  	[dreg:$0x4] =	wrdreg $0x9  }
0xb7: {  	_ =	task.clear_ibuf [dreg:s7], $0x5FFFF;
	_ =	strace $0x90000046  }
0xb8: {  	s29 =	simm.s32 $0x9;
	_ =	strace $0x80000048  }
0xb9: {  	_ =	swait.ge [sflag:s29], $0x1  }
0xba: {  	[sflag:s29] =	ssyncadd.s32 $0xFFFFFFFF  }
0xbb: {  	_ =	strace $0x90000048  }
0xbc: {  	_ =	sfence  }
0xbd: {  	s30 =	sld [smem:$0x0];
	_ =	sdelay $0x2  }
0xbe: {  	s31 =	sshll.u32 s1, $0xD;
	s1 =	sshrl.u32 s1, $0x2  }
0xbf: {  	s3 =	sand.u32 $0x4000, s31;
	s1 =	sadd.s32 s1, s30  }
0xc0: {  	s0 =	sor.u32 s3, s0;
	s1 =	sshll.u32 s1, $0x11  }
0xc1: {  	s0 =	sor.u32 s1, s0  }
0xc2: {  	s0 =	sadd.s32 $0x8F2B, s0  }
0xc3: {  	[sflag:s0] =	ssyncadd.remote.s32 $0x1  }
0xc4: {  	_ =	sfence.sel $0xFFFF  }
0xc5: {  	[dreg:$0x0] =	wrdreg $0xFFFFFFFF;
	(pc) =	sbr.abs _section_cstart, $3  }
0xc6: {  	[dreg:$0x1] =	wrdreg $0xFFFFFFFF  }
0xc7: {  	_ =	task.clear_ibuf [dreg:s7], $0x2FFFF;
	_ =	strace $0x9FFFFFFF  }
0xc8: {  	(tm) =	ssettm $0x7FFFFFFF  }
0xc9: {  	_ =	shalt  }
tec
execute0_lowered:
.L_overlay_start_1:
0x0: {  	(tag) =	ssettag $0x1  }
0x1: {  	s6 =	rddreg [dreg:$0x0]  }
0x2: {  	s7 =	rddreg [dreg:$0x1];
	s2 =	srdreg.scid  }
0x3: {  	s0 =	rddreg [dreg:$0x2];
	s1 =	stileid.u32  }
0x4: {  	s11 =	simm.s32 $0x100;
	s12 =	simm.s32 $0x900;
	s13 =	simm.s32 $0x1100  }
0x5: {  	s14 =	simm.s32 $0x1900;
	s15 =	simm.s32 $0x2100;
	s16 =	simm.s32 $0x2900  }
0x6: {  	s17 =	simm.s32 $0x3100;
	s18 =	simm.s32 $0x3900;
	s19 =	simm.s32 $0x4100  }
0x7: {  	s20 =	simm.s32 $0x4900;
	s21 =	simm.s32 $0x5100;
	s22 =	simm.s32 $0x5900  }
0x8: {  	s23 =	simm.s32 $0x6100;
	s24 =	simm.s32 $0x6900;
	s25 =	simm.s32 $0x7100  }
0x9: {  	s26 =	simm.s32 $0x7900;
	s28 =	simm.s32 $0x1;
	s29 =	simm.s32 $0x2  }
0xa: {  	s3 =	sand.u32 $0x1, s2;
	s2 =	simm.s32 $0x0;
	s4 =	sshll.u32 s1, $0x7  }
0xb: {  	s5 =	sshll.u32 s3, $0x6;
	[smem:$0x7FF] =	sst s2;
	s8 =	ssub.s32 $0x2, s3  }
0xc: {  	s3 =	sadd.s32 $0x1A00, s7;
	s5 =	sor.u32 s5, s4;
	_ =	strace $0x80000047  }
0xd: {  	s31 =	sshrl.u32 s8, $0x1;
	s4 =	sshrl.u32 s5, $0x3;
	s10 =	sshll.u32 s5, $0x6  }
0xe: {  	v2 =	vlaneseq.u32;
	s8 =	ssub.s32 s8, s31;
	s9 =	sadd.s32 s4, s7;
	s6 =	sadd.s32 s6, s10  }
0xf: {  	vm0 =	vmmov $0xffff;
	v1 =	vshrl.u32 v2, $0x3;
	s7 =	sadd.s32 $0x1B00, s7;
	s8 =	smax.u32 s8, $0x1;
	s10 =	simm.s32 $0x80  }
0x10: {  	v0 =	vand.u32 $0x7, v2;
	v2 =	vor.u32 $0x8, v2;
	v1 =	vmul.u32 $0x8, v1;
	s4 =	sadd.s32 $0x1600, s9;
	s5 =	sadd.s32 $0x1800, s9;
	s9 =	simm.s32 $0x3  }
.LBB2_1:
0x11: {  	[tilespmem:s2], [sflag:$0x3] =	stream.linear.gather [hbm4b:s4+s2], $0x40, $0x38;
	[tilespmem:$0x8100] =	vst v63  }
0x12: {  	_ =	swait.ge [sflag:s9], $0x40  }
0x13: {  	[sflag:s9] =	ssyncset.done $0x0  }
0x14: {  	[sflag:s9] =	ssyncadd.s32 $0xFFFFFFC0  }
0x15: {  	[tilespmem:s10], [sflag:$0x3] =	stream.linear.gather [hbm4b:s5+s2], $0x40, $0x38;
	[tilespmem:$0x8100] =	vst v63  }
0x16: {  	_ =	swait.ge [sflag:s9], $0x40  }
0x17: {  	[sflag:s9] =	ssyncset.done $0x0  }
0x18: {  	[sflag:s9] =	ssyncadd.s32 $0xFFFFFFC0  }
0x19: {  	[tilespmem:s11], [sflag:$0x3] =	stream.linear.gather [hbm4b:s6+s2], $0x8000, $0x38;
	[tilespmem:$0x8100] =	vst v63  }
0x1a: {  	_ =	swait.ge [sflag:s9], $0x8000  }
0x1b: {  	[sflag:s9] =	ssyncset.done $0x0  }
0x1c: {  	[sflag:s9] =	ssyncadd.s32 $0xFFFF8000  }
0x1d: {  	v3 =	vld [tilespmem:$0x0];
	_ =	sdelay $0x4  }
0x1e: {  	v4 =	vshll.u32 v3, $0x2  }
0x1f: {  	v3 =	vand.u32 $0x7, v3;
	v4 =	vand.u32 $0xFFFFFFE0, v4  }
0x20: {  	v3 =	vor.u32 v3, v4  }
0x21: {  	v4 =	vperm.xlane v3, v0;
	_ =	sdelay $0x1  }
0x22: {  	v4 =	vadd.s32 v1, v4;
	_ =	sdelay $0x1  }
0x23: {  	v3 =	vperm.xlane v3, v2;
	_ =	sdelay $0x1  }
0x24: {  	v3 =	vadd.s32 v1, v3  }
0x25: {  	[hbm4b:s3+s2] =	stream.indirect_vreg.scatter [tilespmem:s11], [sflag:$0x1], $0x80, v4, vm0, $0xb8;
	[tilespmem:$0x8100] =	vst v63  }
0x26: {  	_ = 	snop  }
0x27: {  	[hbm4b:s7+s2] =	stream.indirect_vreg.scatter [tilespmem:s12], [sflag:$0x1], $0x80, v4, vm0, $0xb8;
	[tilespmem:$0x8100] =	vst v63  }
0x28: {  	_ = 	snop  }
0x29: {  	[hbm4b:s3+s2] =	stream.indirect_vreg.scatter [tilespmem:s13], [sflag:$0x1], $0x80, v3, vm0, $0xb8;
	[tilespmem:$0x8100] =	vst v63  }
0x2a: {  	_ = 	snop  }
0x2b: {  	[hbm4b:s7+s2] =	stream.indirect_vreg.scatter [tilespmem:s14], [sflag:$0x1], $0x80, v3, vm0, $0xb8;
	[tilespmem:$0x8100] =	vst v63  }
0x2c: {  	v3 =	vld [tilespmem:$0x10];
	_ =	sdelay $0x4  }
0x2d: {  	v57 =	vshll.u32 v3, $0x2  }
0x2e: {  	v3 =	vand.u32 $0x7, v3;
	v4 =	vand.u32 $0xFFFFFFE0, v57  }
0x2f: {  	v3 =	vor.u32 v3, v4  }
0x30: {  	v4 =	vperm.xlane v3, v0;
	_ =	sdelay $0x1  }
0x31: {  	v4 =	vadd.s32 v1, v4;
	_ =	sdelay $0x1  }
0x32: {  	v3 =	vperm.xlane v3, v2;
	_ =	sdelay $0x1  }
0x33: {  	v3 =	vadd.s32 v1, v3  }
0x34: {  	[hbm4b:s3+s2] =	stream.indirect_vreg.scatter [tilespmem:s15], [sflag:$0x1], $0x80, v4, vm0, $0xb8;
	[tilespmem:$0x8100] =	vst v63  }
0x35: {  	_ = 	snop  }
0x36: {  	[hbm4b:s7+s2] =	stream.indirect_vreg.scatter [tilespmem:s16], [sflag:$0x1], $0x80, v4, vm0, $0xb8;
	[tilespmem:$0x8100] =	vst v63  }
0x37: {  	_ = 	snop  }
0x38: {  	[hbm4b:s3+s2] =	stream.indirect_vreg.scatter [tilespmem:s17], [sflag:$0x1], $0x80, v3, vm0, $0xb8;
	[tilespmem:$0x8100] =	vst v63  }
0x39: {  	_ = 	snop  }
0x3a: {  	[hbm4b:s7+s2] =	stream.indirect_vreg.scatter [tilespmem:s18], [sflag:$0x1], $0x80, v3, vm0, $0xb8;
	[tilespmem:$0x8100] =	vst v63  }
0x3b: {  	v3 =	vld [tilespmem:$0x20];
	_ =	sdelay $0x4  }
0x3c: {  	v58 =	vshll.u32 v3, $0x2  }
0x3d: {  	v3 =	vand.u32 $0x7, v3;
	v4 =	vand.u32 $0xFFFFFFE0, v58  }
0x3e: {  	v3 =	vor.u32 v3, v4  }
0x3f: {  	v4 =	vperm.xlane v3, v0;
	_ =	sdelay $0x1  }
0x40: {  	v4 =	vadd.s32 v1, v4;
	_ =	sdelay $0x1  }
0x41: {  	v3 =	vperm.xlane v3, v2;
	_ =	sdelay $0x1  }
0x42: {  	v3 =	vadd.s32 v1, v3  }
0x43: {  	[hbm4b:s3+s2] =	stream.indirect_vreg.scatter [tilespmem:s19], [sflag:$0x1], $0x80, v4, vm0, $0xb8;
	[tilespmem:$0x8100] =	vst v63  }
0x44: {  	_ = 	snop  }
0x45: {  	[hbm4b:s7+s2] =	stream.indirect_vreg.scatter [tilespmem:s20], [sflag:$0x1], $0x80, v4, vm0, $0xb8;
	[tilespmem:$0x8100] =	vst v63  }
0x46: {  	_ = 	snop  }
0x47: {  	[hbm4b:s3+s2] =	stream.indirect_vreg.scatter [tilespmem:s21], [sflag:$0x1], $0x80, v3, vm0, $0xb8;
	[tilespmem:$0x8100] =	vst v63  }
0x48: {  	_ = 	snop  }
0x49: {  	[hbm4b:s7+s2] =	stream.indirect_vreg.scatter [tilespmem:s22], [sflag:$0x1], $0x80, v3, vm0, $0xb8;
	[tilespmem:$0x8100] =	vst v63  }
0x4a: {  	v3 =	vld [tilespmem:$0x30];
	_ =	sdelay $0x4  }
0x4b: {  	v59 =	vshll.u32 v3, $0x2  }
0x4c: {  	v3 =	vand.u32 $0x7, v3;
	v4 =	vand.u32 $0xFFFFFFE0, v59  }
0x4d: {  	v3 =	vor.u32 v3, v4  }
0x4e: {  	v4 =	vperm.xlane v3, v0;
	_ =	sdelay $0x1  }
0x4f: {  	v4 =	vadd.s32 v1, v4;
	_ =	sdelay $0x1  }
0x50: {  	v3 =	vperm.xlane v3, v2;
	_ =	sdelay $0x1  }
0x51: {  	v3 =	vadd.s32 v1, v3  }
0x52: {  	[hbm4b:s3+s2] =	stream.indirect_vreg.scatter [tilespmem:s23], [sflag:$0x1], $0x80, v4, vm0, $0xb8;
	[tilespmem:$0x8100] =	vst v63  }
0x53: {  	_ = 	snop  }
0x54: {  	[hbm4b:s7+s2] =	stream.indirect_vreg.scatter [tilespmem:s24], [sflag:$0x1], $0x80, v4, vm0, $0xb8;
	[tilespmem:$0x8100] =	vst v63  }
0x55: {  	_ = 	snop  }
0x56: {  	[hbm4b:s3+s2] =	stream.indirect_vreg.scatter [tilespmem:s25], [sflag:$0x1], $0x80, v3, vm0, $0xb8;
	[tilespmem:$0x8100] =	vst v63  }
0x57: {  	_ = 	snop  }
0x58: {  	[hbm4b:s7+s2] =	stream.indirect_vreg.scatter [tilespmem:s26], [sflag:$0x1], $0x80, v3, vm0, $0xb8;
	[tilespmem:$0x8100] =	vst v63  }
0x59: {  	v3 =	vld [tilespmem:$0x80];
	_ =	sdelay $0x4  }
0x5a: {  	v60 =	vshll.u32 v3, $0x2  }
0x5b: {  	v3 =	vand.u32 $0x7, v3;
	v4 =	vand.u32 $0xFFFFFFE0, v60  }
0x5c: {  	v3 =	vor.u32 v3, v4  }
0x5d: {  	v4 =	vperm.xlane v3, v0;
	_ =	sdelay $0x1  }
0x5e: {  	v4 =	vadd.s32 v1, v4;
	_ =	sdelay $0x1  }
0x5f: {  	v3 =	vperm.xlane v3, v2;
	_ =	sdelay $0x1  }
0x60: {  	v3 =	vadd.s32 v1, v3  }
0x61: {  	[hbm4b:s3+s2] =	stream.indirect_vreg.scatter [tilespmem:s11], [sflag:$0x2], $0x80, v4, vm0, $0xb8;
	[tilespmem:$0x8100] =	vst v63  }
0x62: {  	_ = 	snop  }
0x63: {  	[hbm4b:s7+s2] =	stream.indirect_vreg.scatter [tilespmem:s12], [sflag:$0x2], $0x80, v4, vm0, $0xb8;
	[tilespmem:$0x8100] =	vst v63  }
0x64: {  	_ = 	snop  }
0x65: {  	[hbm4b:s3+s2] =	stream.indirect_vreg.scatter [tilespmem:s13], [sflag:$0x2], $0x80, v3, vm0, $0xb8;
	[tilespmem:$0x8100] =	vst v63  }
0x66: {  	_ = 	snop  }
0x67: {  	[hbm4b:s7+s2] =	stream.indirect_vreg.scatter [tilespmem:s14], [sflag:$0x2], $0x80, v3, vm0, $0xb8;
	[tilespmem:$0x8100] =	vst v63  }
0x68: {  	v3 =	vld [tilespmem:$0x90];
	_ =	sdelay $0x4  }
0x69: {  	v61 =	vshll.u32 v3, $0x2  }
0x6a: {  	v3 =	vand.u32 $0x7, v3;
	v4 =	vand.u32 $0xFFFFFFE0, v61  }
0x6b: {  	v3 =	vor.u32 v3, v4  }
0x6c: {  	v4 =	vperm.xlane v3, v0;
	_ =	sdelay $0x1  }
0x6d: {  	v4 =	vadd.s32 v1, v4;
	_ =	sdelay $0x1  }
0x6e: {  	v3 =	vperm.xlane v3, v2;
	_ =	sdelay $0x1  }
0x6f: {  	v3 =	vadd.s32 v1, v3  }
0x70: {  	[hbm4b:s3+s2] =	stream.indirect_vreg.scatter [tilespmem:s15], [sflag:$0x2], $0x80, v4, vm0, $0xb8;
	[tilespmem:$0x8100] =	vst v63  }
0x71: {  	_ = 	snop  }
0x72: {  	[hbm4b:s7+s2] =	stream.indirect_vreg.scatter [tilespmem:s16], [sflag:$0x2], $0x80, v4, vm0, $0xb8;
	[tilespmem:$0x8100] =	vst v63  }
0x73: {  	_ = 	snop  }
0x74: {  	[hbm4b:s3+s2] =	stream.indirect_vreg.scatter [tilespmem:s17], [sflag:$0x2], $0x80, v3, vm0, $0xb8;
	[tilespmem:$0x8100] =	vst v63  }
0x75: {  	_ = 	snop  }
0x76: {  	[hbm4b:s7+s2] =	stream.indirect_vreg.scatter [tilespmem:s18], [sflag:$0x2], $0x80, v3, vm0, $0xb8;
	[tilespmem:$0x8100] =	vst v63  }
0x77: {  	v3 =	vld [tilespmem:$0xA0];
	_ =	sdelay $0x4  }
0x78: {  	v62 =	vshll.u32 v3, $0x2  }
0x79: {  	v3 =	vand.u32 $0x7, v3;
	v4 =	vand.u32 $0xFFFFFFE0, v62  }
0x7a: {  	v3 =	vor.u32 v3, v4  }
0x7b: {  	v4 =	vperm.xlane v3, v0;
	_ =	sdelay $0x1  }
0x7c: {  	v4 =	vadd.s32 v1, v4;
	_ =	sdelay $0x1  }
0x7d: {  	v3 =	vperm.xlane v3, v2;
	_ =	sdelay $0x1  }
0x7e: {  	v3 =	vadd.s32 v1, v3  }
0x7f: {  	[hbm4b:s3+s2] =	stream.indirect_vreg.scatter [tilespmem:s19], [sflag:$0x2], $0x80, v4, vm0, $0xb8;
	[tilespmem:$0x8100] =	vst v63  }
0x80: {  	_ = 	snop  }
0x81: {  	[hbm4b:s7+s2] =	stream.indirect_vreg.scatter [tilespmem:s20], [sflag:$0x2], $0x80, v4, vm0, $0xb8;
	[tilespmem:$0x8100] =	vst v63  }
0x82: {  	_ = 	snop  }
0x83: {  	[hbm4b:s3+s2] =	stream.indirect_vreg.scatter [tilespmem:s21], [sflag:$0x2], $0x80, v3, vm0, $0xb8;
	[tilespmem:$0x8100] =	vst v63  }
0x84: {  	_ = 	snop  }
0x85: {  	[hbm4b:s7+s2] =	stream.indirect_vreg.scatter [tilespmem:s22], [sflag:$0x2], $0x80, v3, vm0, $0xb8;
	[tilespmem:$0x8100] =	vst v63  }
0x86: {  	v3 =	vld [tilespmem:$0xB0];
	_ =	sdelay $0x4  }
0x87: {  	v63 =	vshll.u32 v3, $0x2  }
0x88: {  	v3 =	vand.u32 $0x7, v3;
	v4 =	vand.u32 $0xFFFFFFE0, v63  }
0x89: {  	v3 =	vor.u32 v3, v4  }
0x8a: {  	v4 =	vperm.xlane v3, v0;
	_ =	sdelay $0x1  }
0x8b: {  	v4 =	vadd.s32 v1, v4;
	_ =	sdelay $0x1  }
0x8c: {  	v3 =	vperm.xlane v3, v2;
	_ =	sdelay $0x1  }
0x8d: {  	v3 =	vadd.s32 v1, v3  }
0x8e: {  	[hbm4b:s3+s2] =	stream.indirect_vreg.scatter [tilespmem:s23], [sflag:$0x2], $0x80, v4, vm0, $0xb8;
	[tilespmem:$0x8100] =	vst v63  }
0x8f: {  	_ = 	snop  }
0x90: {  	[hbm4b:s7+s2] =	stream.indirect_vreg.scatter [tilespmem:s24], [sflag:$0x2], $0x80, v4, vm0, $0xb8;
	[tilespmem:$0x8100] =	vst v63  }
0x91: {  	_ = 	snop  }
0x92: {  	[hbm4b:s3+s2] =	stream.indirect_vreg.scatter [tilespmem:s25], [sflag:$0x2], $0x80, v3, vm0, $0xb8;
	[tilespmem:$0x8100] =	vst v63  }
0x93: {  	_ = 	snop  }
0x94: {  	[hbm4b:s7+s2] =	stream.indirect_vreg.scatter [tilespmem:s26], [sflag:$0x2], $0x80, v3, vm0, $0xb8;
	[tilespmem:$0x8100] =	vst v63  }
0x95: {  	p0 =	sne.s32 s8, $0x1;
	_ =	swait.ge [sflag:s28], $0x8000  }
.Ltmp0:
0x96: {  	[sflag:s28] =	ssyncset.done $0x0;
	(pc) =	sbr.rel @p0 .LBB2_1-.Ltmp0, $4  }
0x97: {  	[sflag:s28] =	ssyncadd.s32 $0xFFFF8000  }
0x98: {  	_ =	swait.ge [sflag:s29], $0x8000  }
0x99: {  	[sflag:s29] =	ssyncset.done $0x0  }
0x9a: {  	s8 =	sadd.s32 $0xFFFFFFFF, s8;
	[sflag:s29] =	ssyncadd.s32 $0xFFFF8000  }
0x9b: {  	_ =	sfence.sel $0x180000  }
0x9c: {  	[bflag:$0x0] =	sbarrier.arrive $0xFFFF  }
0x9d: {  	p0 =	sne.s32 s1, $0x0;
	_ =	strace $0x90000047  }
0x9e: {  	s0 =	sadd.s32 @!p0 $0x100000, s0;
	[bflag:$0x2] =	sbarrier.arrive $0xFFFF  }
0x9f: {  	[sflag:s0] =	ssyncadd.tile.s32 @!p0 $0x1;
	_ =	shalt  }
.Lfunc_end2:
_tile_overlayer_lowered:
.L_overlay_start_2:
0xa0: {  	(tag) =	ssettag $0x2  }
0xa1: {  	s0 =	rddreg [dreg:$0x0];
	s2 =	stileid.u32  }
0xa2: {  	s1 =	rddreg [dreg:$0x1];
	p0 =	sne.s32 s2, $0x0  }
0xa3: {  	s3 =	rddreg [dreg:$0x2];
	[bflag:$0x3] =	sbarrier.arrive $0xFFFF;
	s2 =	simm.s32 @!p0 $0x1C03  }
0xa4: {  	[timem:s3], [sflag:s2] =	dma.local @!p0 [hbm:s0], s1  }
0xa5: {  	s0 =	simm.s32 @!p0 $0x3  }
0xa6: {  	_ =	swait.ge @!p0 [sflag:s0], s1  }
0xa7: {  	s1 =	ssub.s32 @!p0 $0x0, s1;
	[sflag:s0] =	ssyncset.done @!p0 $0x0  }
0xa8: {  	[sflag:s0] =	ssyncadd.s32 @!p0 s1  }
0xa9: {  	[bflag:$0x3] =	sbarrier.arrive $0xFFFF  }
0xaa: {  	_ =	shalt  }

</sc_bundles>
